<compile_context>
chip_gen: v7x
topology: tpu7x:2x2x1
jax: 0.10.2.dev20260603
libtpu: 0.0.44.dev20260713+nightly
codegen_flags: <defaults>
</compile_context>

<pallas_src>
import functools

import jax
import jax.numpy as jnp
from jax import lax
from jax.experimental import pallas as pl
from jax.experimental.pallas import tpu as pltpu
from jax.experimental.pallas import tpu_sc as plsc

L = 16
NC = 2
NS = 16
NW = NC * NS
CHUNK = 10000
UNROLL = 5


def _sc_rational(e_total):
    per_w = e_total // NW
    nchunks = per_w // CHUNK
    npairs = nchunks // 2

    mesh = plsc.VectorSubcoreMesh(core_axis_name="c", subcore_axis_name="s")

    @functools.partial(
        pl.kernel,
        mesh=mesh,
        out_type=jax.ShapeDtypeStruct((e_total,), jnp.float32),
        compiler_params=pltpu.CompilerParams(
            use_tc_tiling_on_sc=False, needs_layout_passes=False
        ),
        scratch_types=[
            pltpu.VMEM((L,), jnp.float32),
            pltpu.VMEM((L,), jnp.float32),
            pltpu.VMEM((L,), jnp.float32),
            pltpu.VMEM((2, CHUNK), jnp.int32),
            pltpu.VMEM((2, CHUNK), jnp.float32),
            pltpu.VMEM((2, CHUNK), jnp.float32),
            pltpu.SemaphoreType.DMA,
            pltpu.SemaphoreType.DMA,
            pltpu.SemaphoreType.DMA,
            pltpu.SemaphoreType.DMA,
        ],
    )
    def k(eij_hbm, dst_hbm, d0_hbm, r0_hbm, nn_hbm, out_hbm,
          cd0_v, ir0_v, nn_v, eij_v, dst_v, out_v,
          sem_in0, sem_in1, sem_out0, sem_out1):
        wid = lax.axis_index("s") * NC + lax.axis_index("c")
        base = wid * per_w
        sem_in = (sem_in0, sem_in1)
        sem_out = (sem_out0, sem_out1)
        pltpu.sync_copy(d0_hbm, cd0_v)
        pltpu.sync_copy(r0_hbm, ir0_v)
        pltpu.sync_copy(nn_hbm, nn_v)
        d0x = cd0_v[...]
        irx = 1.0 / ir0_v[...]
        nnx = nn_v[...]
        cdx = d0x * irx
        ir0_v[...] = jnp.where(nnx == 6.0, -irx, irx)
        cd0_v[...] = jnp.where(nnx == 8.0, -cdx, cdx)

        def issue_in(off, b):
            pltpu.async_copy(
                eij_hbm.at[pl.ds(off, CHUNK)], eij_v.at[b], sem_in[b])
            pltpu.async_copy(
                dst_hbm.at[pl.ds(off, CHUNK)], dst_v.at[b], sem_in[b])

        def wait_in(b):
            pltpu.make_async_copy(
                eij_hbm.at[pl.ds(0, CHUNK)], eij_v.at[b], sem_in[b]).wait()
            pltpu.make_async_copy(
                dst_hbm.at[pl.ds(0, CHUNK)], dst_v.at[b], sem_in[b]).wait()

        def wait_out(b):
            pltpu.make_async_copy(
                out_v.at[b], out_hbm.at[pl.ds(0, CHUNK)], sem_out[b]).wait()

        def compute(b):
            eb, db, ob = eij_v.at[b], dst_v.at[b], out_v.at[b]

            @plsc.parallel_loop(0, CHUNK, L, unroll=UNROLL)
            def _(i):
                s = pl.ds(pl.multiple_of(i, L), L)
                e = eb[s]
                dd = db[s]
                cg = plsc.load_gather(cd0_v, [e])
                irg = plsc.load_gather(ir0_v, [e])
                rd = jnp.maximum(dd * jnp.abs(irg) - jnp.abs(cg), 0.0)
                rd2 = rd * rd
                rd4 = rd2 * rd2
                x = rd4 * jnp.where(irg < 0.0, rd2, jnp.float32(1.0))
                x = jnp.where(cg < 0.0, x * rd4, x)
                ob[s] = 1.0 / (1.0 + x)

        issue_in(base, 0)

        def pair_body(p, carry):
            ci0 = p * 2
            off0 = base + ci0 * CHUNK
            off1 = off0 + CHUNK
            issue_in(off1, 1)

            wait_in(0)

            @pl.when(p > 0)
            def _():
                wait_out(0)

            compute(0)
            pltpu.async_copy(
                out_v.at[0], out_hbm.at[pl.ds(off0, CHUNK)], sem_out[0])

            @pl.when(ci0 + 2 < nchunks)
            def _():
                issue_in(off1 + CHUNK, 0)

            wait_in(1)

            @pl.when(p > 0)
            def _():
                wait_out(1)

            compute(1)
            pltpu.async_copy(
                out_v.at[1], out_hbm.at[pl.ds(off1, CHUNK)], sem_out[1])
            return carry

        lax.fori_loop(0, npairs, pair_body, 0)
        wait_out(0)
        wait_out(1)

    return k


def kernel(eij, dst, d0, r0, nn_tab, nd_tab):
    del nd_tab
    e_total = eij.shape[0]
    grain = NW * CHUNK * 2
    e_pad = -(-e_total // grain) * grain
    if e_pad != e_total:
        eij = jnp.pad(eij, (0, e_pad - e_total))
        dst = jnp.pad(dst, (0, e_pad - e_total))
    out = _sc_rational(e_pad)(eij, dst, d0, r0, nn_tab)
    return out[:e_total] if e_pad != e_total else out

# --- scband reference (transcript-rebuilt; emitter-appended) ---
"""Pipeline reference for scband-rational-87471303951110 (READ-ONLY COPY).

The authoritative reference and input builder live on the scoring server;
editing this copy changes nothing except your own understanding.
"""

import jax, jax.numpy as jnp
import numpy as np

D0 = np.array([0.10, 0.15, 0.12, 0.20, 0.18, 0.25, 0.11, 0.22, 0.16, 0.14, 0.19, 0.21, 0.13, 0.17, 0.23, 0.24], dtype=np.float32)
R0 = np.array([0.20, 0.25, 0.30, 0.22, 0.28, 0.21, 0.26, 0.24, 0.23, 0.27, 0.29, 0.20, 0.25, 0.22, 0.30, 0.26], dtype=np.float32)
NN = np.array([6.0, 4.0, 8.0, 6.0, 4.0, 8.0, 6.0, 4.0, 8.0, 6.0, 4.0, 8.0, 6.0, 4.0, 8.0, 6.0], dtype=np.float32)
ND = np.array([12.0, 8.0, 16.0, 12.0, 8.0, 16.0, 12.0, 8.0, 16.0, 12.0, 8.0, 16.0, 12.0, 8.0, 16.0, 12.0], dtype=np.float32)

E = 6400000

def setup_inputs(seed: int = 0) -> dict:
    key = jax.random.key(seed)
    k1, k2 = jax.random.split(key)
    eij = jax.random.randint(k1, (E,), 0, 16, dtype=jnp.int32)
    dst = jax.random.uniform(k2, (E,), dtype=jnp.float32)
    return {
        "eij": eij,
        "dst": dst,
        "d0": jnp.asarray(D0),
        "r0": jnp.asarray(R0),
        "nn_tab": jnp.asarray(NN),
        "nd_tab": jnp.asarray(ND),
    }

def reference(eij, dst, d0, r0, nn_tab, nd_tab):
    eps = 0.001
    d0_e = jnp.take(d0, eij, axis=0)
    r0_e = jnp.take(r0, eij, axis=0)
    nn = jnp.take(nn_tab, eij, axis=0)
    nd = jnp.take(nd_tab, eij, axis=0)
    rd = (dst - d0_e) / r0_e
    num = 1.0 - jnp.power(rd, nn)
    den = 1.0 - jnp.power(rd, nd)
    rat_almost = num / den
    rat_singul = 0.5 * nn * (2.0 + (nn - nd) * (rd - 1.0)) / nd
    sing = (rd < 1.0 + eps) & (rd > 1.0 - eps)
    rat = jnp.where(sing, rat_singul, rat_almost)
    return jnp.where(rd < 0.0, jnp.float32(1.0), rat)

if __name__ == "__main__":
    import jax
    _d = setup_inputs()
    print(jax.jit(kernel)(*tuple(_d.values())))

</pallas_src>

<mosaic_0001>
#map = affine_map<(d0, d1) -> (0)>
module attributes {stable_mosaic.version = 14 : i64} {
  func.func @k(%arg0: i32, %arg1: i32, %arg2: memref<6400000xi32, #tpu.memory_space<hbm>>, %arg3: memref<6400000xf32, #tpu.memory_space<hbm>>, %arg4: memref<16xf32, #tpu.memory_space<hbm>>, %arg5: memref<16xf32, #tpu.memory_space<hbm>>, %arg6: memref<16xf32, #tpu.memory_space<hbm>>, %arg7: memref<6400000xf32, #tpu.memory_space<hbm>>, %arg8: memref<16xf32, #tpu.memory_space<vmem>>, %arg9: memref<16xf32, #tpu.memory_space<vmem>>, %arg10: memref<16xf32, #tpu.memory_space<vmem>>, %arg11: memref<2x10000xi32, #tpu.memory_space<vmem>>, %arg12: memref<2x10000xf32, #tpu.memory_space<vmem>>, %arg13: memref<2x10000xf32, #tpu.memory_space<vmem>>, %arg14: memref<!tpu.dma_semaphore, #tpu.memory_space<semaphore_mem>>, %arg15: memref<!tpu.dma_semaphore, #tpu.memory_space<semaphore_mem>>, %arg16: memref<!tpu.dma_semaphore, #tpu.memory_space<semaphore_mem>>, %arg17: memref<!tpu.dma_semaphore, #tpu.memory_space<semaphore_mem>>) attributes {dimension_semantics = [#tpu.dimension_semantics<core_parallel>, #tpu.dimension_semantics<subcore_parallel>], iteration_bounds = array<i64: 2, 16>, scalar_prefetch = 0 : i64, scratch_operands = 10 : i64, tpu.core_type = #tpu.core_type<sc_vector_subcore>, window_params = [{transform_indices = #map}, {transform_indices = #map}, {transform_indices = #map}, {transform_indices = #map}, {transform_indices = #map}, {transform_indices = #map}]} {
    %mul3A = arith.constant 2 : i32
    %mul3A_0 = arith.muli %arg1, %mul3A : i32
    %add3A = arith.addi %mul3A_0, %arg0 : i32
    %mul3A_1 = arith.constant 200000 : i32
    %mul3A_2 = arith.muli %add3A, %mul3A_1 : i32
    "tpu.region"() ({
      %run_scoped3A = tpu.sem_alloc : memref<!tpu.dma_semaphore, #tpu.memory_space<semaphore_mem>>
      tpu.enqueue_dma source(%arg4 : memref<16xf32, #tpu.memory_space<hbm>>) target(%arg8 : memref<16xf32, #tpu.memory_space<vmem>>) target_semaphore(%run_scoped3A : memref<!tpu.dma_semaphore, #tpu.memory_space<semaphore_mem>>)
      tpu.wait_dma2 semaphore(%run_scoped3A : memref<!tpu.dma_semaphore, #tpu.memory_space<semaphore_mem>>) src(%arg4 : memref<16xf32, #tpu.memory_space<hbm>>) dst(%arg8 : memref<16xf32, #tpu.memory_space<vmem>>)
      tpu.yield
    }) : () -> ()
    "tpu.region"() ({
      %run_scoped3A = tpu.sem_alloc : memref<!tpu.dma_semaphore, #tpu.memory_space<semaphore_mem>>
      tpu.enqueue_dma source(%arg5 : memref<16xf32, #tpu.memory_space<hbm>>) target(%arg9 : memref<16xf32, #tpu.memory_space<vmem>>) target_semaphore(%run_scoped3A : memref<!tpu.dma_semaphore, #tpu.memory_space<semaphore_mem>>)
      tpu.wait_dma2 semaphore(%run_scoped3A : memref<!tpu.dma_semaphore, #tpu.memory_space<semaphore_mem>>) src(%arg5 : memref<16xf32, #tpu.memory_space<hbm>>) dst(%arg9 : memref<16xf32, #tpu.memory_space<vmem>>)
      tpu.yield
    }) : () -> ()
    "tpu.region"() ({
      %run_scoped3A = tpu.sem_alloc : memref<!tpu.dma_semaphore, #tpu.memory_space<semaphore_mem>>
      tpu.enqueue_dma source(%arg6 : memref<16xf32, #tpu.memory_space<hbm>>) target(%arg10 : memref<16xf32, #tpu.memory_space<vmem>>) target_semaphore(%run_scoped3A : memref<!tpu.dma_semaphore, #tpu.memory_space<semaphore_mem>>)
      tpu.wait_dma2 semaphore(%run_scoped3A : memref<!tpu.dma_semaphore, #tpu.memory_space<semaphore_mem>>) src(%arg6 : memref<16xf32, #tpu.memory_space<hbm>>) dst(%arg10 : memref<16xf32, #tpu.memory_space<vmem>>)
      tpu.yield
    }) : () -> ()
    %get3A = arith.constant 0 : index
    %get3A_3 = tpu.vector_load %arg8[%get3A] {strides = array<i32>} : memref<16xf32, #tpu.memory_space<vmem>>, vector<16xf32>,
    %get3A_4 = arith.constant 0 : index
    %get3A_5 = tpu.vector_load %arg9[%get3A_4] {strides = array<i32>} : memref<16xf32, #tpu.memory_space<vmem>>, vector<16xf32>,
    %div3A = arith.constant 1.000000e+00 : f32
    %div3A_6 = vector.broadcast %div3A : f32 to vector<16xf32>
    %div3A_7 = arith.divf %div3A_6, %get3A_5 : vector<16xf32>
    %get3A_8 = arith.constant 0 : index
    %get3A_9 = tpu.vector_load %arg10[%get3A_8] {strides = array<i32>} : memref<16xf32, #tpu.memory_space<vmem>>, vector<16xf32>,
    %mul3A_10 = arith.mulf %get3A_3, %div3A_7 : vector<16xf32>
    %eq3A = arith.constant 6.000000e+00 : f32
    %eq3A_11 = vector.broadcast %eq3A : f32 to vector<16xf32>
    %eq3A_12 = arith.cmpf oeq, %get3A_9, %eq3A_11 : vector<16xf32>
    %neg3A = arith.constant 0.000000e+00 : f32
    %neg3A_13 = vector.broadcast %neg3A : f32 to vector<16xf32>
    %neg3A_14 = arith.subf %neg3A_13, %div3A_7 : vector<16xf32>
    %select_n3A = arith.select %eq3A_12, %neg3A_14, %div3A_7 : vector<16xi1>, vector<16xf32>
    %swap3A = arith.constant 0 : index
    %swap3A_15 = tpu.vector_load %arg9[%swap3A] {strides = array<i32>} : memref<16xf32, #tpu.memory_space<vmem>>, vector<16xf32>,
    tpu.vector_store %arg9[%swap3A], %select_n3A {strides = array<i32>} : memref<16xf32, #tpu.memory_space<vmem>>, vector<16xf32>,
    %eq3A_16 = arith.constant 8.000000e+00 : f32
    %eq3A_17 = vector.broadcast %eq3A_16 : f32 to vector<16xf32>
    %eq3A_18 = arith.cmpf oeq, %get3A_9, %eq3A_17 : vector<16xf32>
    %neg3A_19 = arith.constant 0.000000e+00 : f32
    %neg3A_20 = vector.broadcast %neg3A_19 : f32 to vector<16xf32>
    %neg3A_21 = arith.subf %neg3A_20, %mul3A_10 : vector<16xf32>
    %select_n3A_22 = arith.select %eq3A_18, %neg3A_21, %mul3A_10 : vector<16xi1>, vector<16xf32>
    %swap3A_23 = arith.constant 0 : index
    %swap3A_24 = tpu.vector_load %arg8[%swap3A_23] {strides = array<i32>} : memref<16xf32, #tpu.memory_space<vmem>>, vector<16xf32>,
    tpu.vector_store %arg8[%swap3A_23], %select_n3A_22 {strides = array<i32>} : memref<16xf32, #tpu.memory_space<vmem>>, vector<16xf32>,
    %dma_start3A = arith.constant 0 : i32
    %dma_start3A_25 = arith.constant 0 : i32
    %dma_start3A_26 = tpu.memref_slice %arg11[%dma_start3A, %dma_start3A_25] : memref<2x10000xi32, #tpu.memory_space<vmem>> -> memref<1x10000xi32, #tpu.memory_space<vmem>>
    %dma_start3A_27 = tpu.memref_squeeze %dma_start3A_26 : memref<1x10000xi32, #tpu.memory_space<vmem>> -> memref<10000xi32, #tpu.memory_space<vmem>>
    %dma_start3A_28 = tpu.memref_slice %arg2[%mul3A_2] : memref<6400000xi32, #tpu.memory_space<hbm>> -> memref<10000xi32, #tpu.memory_space<hbm>>
    %dma_start3A_29 = arith.constant 0 : i32
    %dma_start3A_30 = tpu.memref_slice %arg11[%dma_start3A, %dma_start3A_29] : memref<2x10000xi32, #tpu.memory_space<vmem>> -> memref<1x10000xi32, #tpu.memory_space<vmem>>
    %dma_start3A_31 = tpu.memref_squeeze %dma_start3A_30 : memref<1x10000xi32, #tpu.memory_space<vmem>> -> memref<10000xi32, #tpu.memory_space<vmem>>
    %dma_start3A_32 = tpu.memref_slice %arg2[%mul3A_2] : memref<6400000xi32, #tpu.memory_space<hbm>> -> memref<10000xi32, #tpu.memory_space<hbm>>
    tpu.enqueue_dma source(%dma_start3A_32 : memref<10000xi32, #tpu.memory_space<hbm>>) target(%dma_start3A_31 : memref<10000xi32, #tpu.memory_space<vmem>>) target_semaphore(%arg14 : memref<!tpu.dma_semaphore, #tpu.memory_space<semaphore_mem>>)
    %dma_start3A_33 = arith.constant 0 : i32
    %dma_start3A_34 = arith.constant 0 : i32
    %dma_start3A_35 = tpu.memref_slice %arg12[%dma_start3A_33, %dma_start3A_34] : memref<2x10000xf32, #tpu.memory_space<vmem>> -> memref<1x10000xf32, #tpu.memory_space<vmem>>
    %dma_start3A_36 = tpu.memref_squeeze %dma_start3A_35 : memref<1x10000xf32, #tpu.memory_space<vmem>> -> memref<10000xf32, #tpu.memory_space<vmem>>
    %dma_start3A_37 = tpu.memref_slice %arg3[%mul3A_2] : memref<6400000xf32, #tpu.memory_space<hbm>> -> memref<10000xf32, #tpu.memory_space<hbm>>
    %dma_start3A_38 = arith.constant 0 : i32
    %dma_start3A_39 = tpu.memref_slice %arg12[%dma_start3A_33, %dma_start3A_38] : memref<2x10000xf32, #tpu.memory_space<vmem>> -> memref<1x10000xf32, #tpu.memory_space<vmem>>
    %dma_start3A_40 = tpu.memref_squeeze %dma_start3A_39 : memref<1x10000xf32, #tpu.memory_space<vmem>> -> memref<10000xf32, #tpu.memory_space<vmem>>
    %dma_start3A_41 = tpu.memref_slice %arg3[%mul3A_2] : memref<6400000xf32, #tpu.memory_space<hbm>> -> memref<10000xf32, #tpu.memory_space<hbm>>
    tpu.enqueue_dma source(%dma_start3A_41 : memref<10000xf32, #tpu.memory_space<hbm>>) target(%dma_start3A_40 : memref<10000xf32, #tpu.memory_space<vmem>>) target_semaphore(%arg14 : memref<!tpu.dma_semaphore, #tpu.memory_space<semaphore_mem>>)
    %scan3A = arith.constant 0 : i32
    %scan3A_42 = arith.constant 0 : i32
    %scan3A_43 = arith.constant 10 : i32
    %scan3A_44 = arith.addi %scan3A_42, %scan3A_43 : i32
    %scan3A_45 = arith.constant 1 : i32
    scf.for %scan3A_68 = %scan3A_42 to %scan3A_44 step %scan3A_45  : i32 {
      %mul3A_69 = arith.constant 2 : i32
      %mul3A_70 = arith.muli %scan3A_68, %mul3A_69 : i32
      %mul3A_71 = arith.constant 10000 : i32
      %mul3A_72 = arith.muli %mul3A_70, %mul3A_71 : i32
      %add3A_73 = arith.addi %mul3A_2, %mul3A_72 : i32
      %add3A_74 = arith.constant 10000 : i32
      %add3A_75 = arith.addi %add3A_73, %add3A_74 : i32
      %dma_start3A_76 = arith.constant 1 : i32
      %dma_start3A_77 = arith.constant 0 : i32
      %dma_start3A_78 = tpu.memref_slice %arg11[%dma_start3A_76, %dma_start3A_77] : memref<2x10000xi32, #tpu.memory_space<vmem>> -> memref<1x10000xi32, #tpu.memory_space<vmem>>
      %dma_start3A_79 = tpu.memref_squeeze %dma_start3A_78 : memref<1x10000xi32, #tpu.memory_space<vmem>> -> memref<10000xi32, #tpu.memory_space<vmem>>
      %dma_start3A_80 = tpu.memref_slice %arg2[%add3A_75] : memref<6400000xi32, #tpu.memory_space<hbm>> -> memref<10000xi32, #tpu.memory_space<hbm>>
      %dma_start3A_81 = arith.constant 0 : i32
      %dma_start3A_82 = tpu.memref_slice %arg11[%dma_start3A_76, %dma_start3A_81] : memref<2x10000xi32, #tpu.memory_space<vmem>> -> memref<1x10000xi32, #tpu.memory_space<vmem>>
      %dma_start3A_83 = tpu.memref_squeeze %dma_start3A_82 : memref<1x10000xi32, #tpu.memory_space<vmem>> -> memref<10000xi32, #tpu.memory_space<vmem>>
      %dma_start3A_84 = tpu.memref_slice %arg2[%add3A_75] : memref<6400000xi32, #tpu.memory_space<hbm>> -> memref<10000xi32, #tpu.memory_space<hbm>>
      tpu.enqueue_dma source(%dma_start3A_84 : memref<10000xi32, #tpu.memory_space<hbm>>) target(%dma_start3A_83 : memref<10000xi32, #tpu.memory_space<vmem>>) target_semaphore(%arg15 : memref<!tpu.dma_semaphore, #tpu.memory_space<semaphore_mem>>)
      %dma_start3A_85 = arith.constant 1 : i32
      %dma_start3A_86 = arith.constant 0 : i32
      %dma_start3A_87 = tpu.memref_slice %arg12[%dma_start3A_85, %dma_start3A_86] : memref<2x10000xf32, #tpu.memory_space<vmem>> -> memref<1x10000xf32, #tpu.memory_space<vmem>>
      %dma_start3A_88 = tpu.memref_squeeze %dma_start3A_87 : memref<1x10000xf32, #tpu.memory_space<vmem>> -> memref<10000xf32, #tpu.memory_space<vmem>>
      %dma_start3A_89 = tpu.memref_slice %arg3[%add3A_75] : memref<6400000xf32, #tpu.memory_space<hbm>> -> memref<10000xf32, #tpu.memory_space<hbm>>
      %dma_start3A_90 = arith.constant 0 : i32
      %dma_start3A_91 = tpu.memref_slice %arg12[%dma_start3A_85, %dma_start3A_90] : memref<2x10000xf32, #tpu.memory_space<vmem>> -> memref<1x10000xf32, #tpu.memory_space<vmem>>
      %dma_start3A_92 = tpu.memref_squeeze %dma_start3A_91 : memref<1x10000xf32, #tpu.memory_space<vmem>> -> memref<10000xf32, #tpu.memory_space<vmem>>
      %dma_start3A_93 = tpu.memref_slice %arg3[%add3A_75] : memref<6400000xf32, #tpu.memory_space<hbm>> -> memref<10000xf32, #tpu.memory_space<hbm>>
      tpu.enqueue_dma source(%dma_start3A_93 : memref<10000xf32, #tpu.memory_space<hbm>>) target(%dma_start3A_92 : memref<10000xf32, #tpu.memory_space<vmem>>) target_semaphore(%arg15 : memref<!tpu.dma_semaphore, #tpu.memory_space<semaphore_mem>>)
      %dma_wait3A_94 = arith.constant 0 : i32
      %dma_wait3A_95 = arith.constant 0 : i32
      %dma_wait3A_96 = tpu.memref_slice %arg11[%dma_wait3A_94, %dma_wait3A_95] : memref<2x10000xi32, #tpu.memory_space<vmem>> -> memref<1x10000xi32, #tpu.memory_space<vmem>>
      %dma_wait3A_97 = tpu.memref_squeeze %dma_wait3A_96 : memref<1x10000xi32, #tpu.memory_space<vmem>> -> memref<10000xi32, #tpu.memory_space<vmem>>
      %dma_wait3A_98 = arith.constant 0 : i32
      %dma_wait3A_99 = tpu.memref_slice %arg2[%dma_wait3A_98] : memref<6400000xi32, #tpu.memory_space<hbm>> -> memref<10000xi32, #tpu.memory_space<hbm>>
      %dma_wait3A_100 = arith.constant 0 : i32
      %dma_wait3A_101 = tpu.memref_slice %arg11[%dma_wait3A_94, %dma_wait3A_100] : memref<2x10000xi32, #tpu.memory_space<vmem>> -> memref<1x10000xi32, #tpu.memory_space<vmem>>
      %dma_wait3A_102 = tpu.memref_squeeze %dma_wait3A_101 : memref<1x10000xi32, #tpu.memory_space<vmem>> -> memref<10000xi32, #tpu.memory_space<vmem>>
      %dma_wait3A_103 = arith.constant 0 : i32
      %dma_wait3A_104 = tpu.memref_slice %arg2[%dma_wait3A_103] : memref<6400000xi32, #tpu.memory_space<hbm>> -> memref<10000xi32, #tpu.memory_space<hbm>>
      tpu.wait_dma2 semaphore(%arg14 : memref<!tpu.dma_semaphore, #tpu.memory_space<semaphore_mem>>) src(%dma_wait3A_104 : memref<10000xi32, #tpu.memory_space<hbm>>) dst(%dma_wait3A_102 : memref<10000xi32, #tpu.memory_space<vmem>>)
      %dma_wait3A_105 = arith.constant 0 : i32
      %dma_wait3A_106 = arith.constant 0 : i32
      %dma_wait3A_107 = tpu.memref_slice %arg12[%dma_wait3A_105, %dma_wait3A_106] : memref<2x10000xf32, #tpu.memory_space<vmem>> -> memref<1x10000xf32, #tpu.memory_space<vmem>>
      %dma_wait3A_108 = tpu.memref_squeeze %dma_wait3A_107 : memref<1x10000xf32, #tpu.memory_space<vmem>> -> memref<10000xf32, #tpu.memory_space<vmem>>
      %dma_wait3A_109 = arith.constant 0 : i32
      %dma_wait3A_110 = tpu.memref_slice %arg3[%dma_wait3A_109] : memref<6400000xf32, #tpu.memory_space<hbm>> -> memref<10000xf32, #tpu.memory_space<hbm>>
      %dma_wait3A_111 = arith.constant 0 : i32
      %dma_wait3A_112 = tpu.memref_slice %arg12[%dma_wait3A_105, %dma_wait3A_111] : memref<2x10000xf32, #tpu.memory_space<vmem>> -> memref<1x10000xf32, #tpu.memory_space<vmem>>
      %dma_wait3A_113 = tpu.memref_squeeze %dma_wait3A_112 : memref<1x10000xf32, #tpu.memory_space<vmem>> -> memref<10000xf32, #tpu.memory_space<vmem>>
      %dma_wait3A_114 = arith.constant 0 : i32
      %dma_wait3A_115 = tpu.memref_slice %arg3[%dma_wait3A_114] : memref<6400000xf32, #tpu.memory_space<hbm>> -> memref<10000xf32, #tpu.memory_space<hbm>>
      tpu.wait_dma2 semaphore(%arg14 : memref<!tpu.dma_semaphore, #tpu.memory_space<semaphore_mem>>) src(%dma_wait3A_115 : memref<10000xf32, #tpu.memory_space<hbm>>) dst(%dma_wait3A_113 : memref<10000xf32, #tpu.memory_space<vmem>>)
      %gt3A = arith.constant 0 : i32
      %gt3A_116 = arith.cmpi sgt, %scan3A_68, %gt3A : i32
      %convert_element_type3A = arith.extui %gt3A_116 : i1 to i32
      %cond3A = arith.constant 0 : i32
      %cond3A_117 = arith.cmpi ne, %convert_element_type3A, %cond3A : i32
      scf.if %cond3A_117 {
        %dma_wait3A_180 = arith.constant 0 : i32
        %dma_wait3A_181 = arith.constant 0 : i32
        %dma_wait3A_182 = tpu.memref_slice %arg13[%dma_wait3A_180, %dma_wait3A_181] : memref<2x10000xf32, #tpu.memory_space<vmem>> -> memref<1x10000xf32, #tpu.memory_space<vmem>>
        %dma_wait3A_183 = tpu.memref_squeeze %dma_wait3A_182 : memref<1x10000xf32, #tpu.memory_space<vmem>> -> memref<10000xf32, #tpu.memory_space<vmem>>
        %dma_wait3A_184 = arith.constant 0 : i32
        %dma_wait3A_185 = tpu.memref_slice %arg7[%dma_wait3A_184] : memref<6400000xf32, #tpu.memory_space<hbm>> -> memref<10000xf32, #tpu.memory_space<hbm>>
        %dma_wait3A_186 = arith.constant 0 : i32
        %dma_wait3A_187 = tpu.memref_slice %arg7[%dma_wait3A_186] : memref<6400000xf32, #tpu.memory_space<hbm>> -> memref<10000xf32, #tpu.memory_space<hbm>>
        %dma_wait3A_188 = arith.constant 0 : i32
        %dma_wait3A_189 = tpu.memref_slice %arg13[%dma_wait3A_180, %dma_wait3A_188] : memref<2x10000xf32, #tpu.memory_space<vmem>> -> memref<1x10000xf32, #tpu.memory_space<vmem>>
        %dma_wait3A_190 = tpu.memref_squeeze %dma_wait3A_189 : memref<1x10000xf32, #tpu.memory_space<vmem>> -> memref<10000xf32, #tpu.memory_space<vmem>>
        tpu.wait_dma2 semaphore(%arg16 : memref<!tpu.dma_semaphore, #tpu.memory_space<semaphore_mem>>) src(%dma_wait3A_190 : memref<10000xf32, #tpu.memory_space<vmem>>) dst(%dma_wait3A_187 : memref<10000xf32, #tpu.memory_space<hbm>>)
      } else {
      }
      %parallel_loop3A = arith.constant 0 : i32
      %parallel_loop3A_118 = arith.constant 10000 : i32
      %parallel_loop3A_119 = arith.constant 16 : i32
      %parallel_loop3A_120 = arith.constant 0 : i32
      %parallel_loop3A_121 = arith.constant 0 : i32
      %parallel_loop3A_122 = arith.constant 0 : i32
      scf.for %parallel_loop3A_180 = %parallel_loop3A to %parallel_loop3A_118 step %parallel_loop3A_119  : i32 {
        %parallel_loop3A_181 = tpu.assume_multiple %parallel_loop3A_180, 16 : i32
        %parallel_loop3A_182 = arith.constant 0 : i32
        %parallel_loop3A_183 = tpu.memref_slice %arg11[%parallel_loop3A_120, %parallel_loop3A_182] : memref<2x10000xi32, #tpu.memory_space<vmem>> -> memref<1x10000xi32, #tpu.memory_space<vmem>>
        %parallel_loop3A_184 = tpu.memref_squeeze %parallel_loop3A_183 : memref<1x10000xi32, #tpu.memory_space<vmem>> -> memref<10000xi32, #tpu.memory_space<vmem>>
        %parallel_loop3A_185 = arith.index_cast %parallel_loop3A_181 : i32 to index
        %parallel_loop3A_186 = tpu.vector_load %parallel_loop3A_184[%parallel_loop3A_185] {strides = array<i32>} : memref<10000xi32, #tpu.memory_space<vmem>>, vector<16xi32>,
        %parallel_loop3A_187 = arith.constant 0 : i32
        %parallel_loop3A_188 = tpu.memref_slice %arg12[%parallel_loop3A_121, %parallel_loop3A_187] : memref<2x10000xf32, #tpu.memory_space<vmem>> -> memref<1x10000xf32, #tpu.memory_space<vmem>>
        %parallel_loop3A_189 = tpu.memref_squeeze %parallel_loop3A_188 : memref<1x10000xf32, #tpu.memory_space<vmem>> -> memref<10000xf32, #tpu.memory_space<vmem>>
        %parallel_loop3A_190 = arith.index_cast %parallel_loop3A_181 : i32 to index
        %parallel_loop3A_191 = tpu.vector_load %parallel_loop3A_189[%parallel_loop3A_190] {strides = array<i32>} : memref<10000xf32, #tpu.memory_space<vmem>>, vector<16xf32>,
        %parallel_loop3A_192 = tpu.vector_load_idx %arg8[%parallel_loop3A_186] : memref<16xf32, #tpu.memory_space<vmem>>[vector<16xi32>], vector<16xf32>,
        %parallel_loop3A_193 = tpu.vector_load_idx %arg9[%parallel_loop3A_186] : memref<16xf32, #tpu.memory_space<vmem>>[vector<16xi32>], vector<16xf32>,
        %parallel_loop3A_194 = math.absf %parallel_loop3A_193 : vector<16xf32>
        %parallel_loop3A_195 = arith.mulf %parallel_loop3A_191, %parallel_loop3A_194 : vector<16xf32>
        %parallel_loop3A_196 = math.absf %parallel_loop3A_192 : vector<16xf32>
        %parallel_loop3A_197 = arith.subf %parallel_loop3A_195, %parallel_loop3A_196 : vector<16xf32>
        %parallel_loop3A_198 = arith.constant 0.000000e+00 : f32
        %parallel_loop3A_199 = vector.broadcast %parallel_loop3A_198 : f32 to vector<16xf32>
        %parallel_loop3A_200 = arith.maximumf %parallel_loop3A_197, %parallel_loop3A_199 : vector<16xf32>
        %parallel_loop3A_201 = arith.mulf %parallel_loop3A_200, %parallel_loop3A_200 : vector<16xf32>
        %parallel_loop3A_202 = arith.mulf %parallel_loop3A_201, %parallel_loop3A_201 : vector<16xf32>
        %parallel_loop3A_203 = arith.constant 0.000000e+00 : f32
        %parallel_loop3A_204 = vector.broadcast %parallel_loop3A_203 : f32 to vector<16xf32>
        %parallel_loop3A_205 = arith.cmpf olt, %parallel_loop3A_193, %parallel_loop3A_204 : vector<16xf32>
        %parallel_loop3A_206 = arith.constant 1.000000e+00 : f32
        %parallel_loop3A_207 = vector.broadcast %parallel_loop3A_206 : f32 to vector<16xf32>
        %parallel_loop3A_208 = arith.select %parallel_loop3A_205, %parallel_loop3A_201, %parallel_loop3A_207 : vector<16xi1>, vector<16xf32>
        %parallel_loop3A_209 = arith.mulf %parallel_loop3A_202, %parallel_loop3A_208 : vector<16xf32>
        %parallel_loop3A_210 = arith.constant 0.000000e+00 : f32
        %parallel_loop3A_211 = vector.broadcast %parallel_loop3A_210 : f32 to vector<16xf32>
        %parallel_loop3A_212 = arith.cmpf olt, %parallel_loop3A_192, %parallel_loop3A_211 : vector<16xf32>
        %parallel_loop3A_213 = arith.mulf %parallel_loop3A_209, %parallel_loop3A_202 : vector<16xf32>
        %parallel_loop3A_214 = arith.select %parallel_loop3A_212, %parallel_loop3A_213, %parallel_loop3A_209 : vector<16xi1>, vector<16xf32>
        %parallel_loop3A_215 = arith.constant 1.000000e+00 : f32
        %parallel_loop3A_216 = vector.broadcast %parallel_loop3A_215 : f32 to vector<16xf32>
        %parallel_loop3A_217 = arith.addf %parallel_loop3A_216, %parallel_loop3A_214 : vector<16xf32>
        %parallel_loop3A_218 = arith.constant 1.000000e+00 : f32
        %parallel_loop3A_219 = vector.broadcast %parallel_loop3A_218 : f32 to vector<16xf32>
        %parallel_loop3A_220 = arith.divf %parallel_loop3A_219, %parallel_loop3A_217 : vector<16xf32>
        %parallel_loop3A_221 = arith.constant 0 : i32
        %parallel_loop3A_222 = tpu.memref_slice %arg13[%parallel_loop3A_122, %parallel_loop3A_221] : memref<2x10000xf32, #tpu.memory_space<vmem>> -> memref<1x10000xf32, #tpu.memory_space<vmem>>
        %parallel_loop3A_223 = tpu.memref_squeeze %parallel_loop3A_222 : memref<1x10000xf32, #tpu.memory_space<vmem>> -> memref<10000xf32, #tpu.memory_space<vmem>>
        %parallel_loop3A_224 = arith.index_cast %parallel_loop3A_181 : i32 to index
        %parallel_loop3A_225 = tpu.vector_load %parallel_loop3A_223[%parallel_loop3A_224] {strides = array<i32>} : memref<10000xf32, #tpu.memory_space<vmem>>, vector<16xf32>,
        tpu.vector_store %parallel_loop3A_223[%parallel_loop3A_224], %parallel_loop3A_220 {strides = array<i32>} : memref<10000xf32, #tpu.memory_space<vmem>>, vector<16xf32>,
      } {sc.loop_unroll_factor = 5 : i64, sc.parallel_access}
      %dma_start3A_123 = arith.constant 0 : i32
      %dma_start3A_124 = arith.constant 0 : i32
      %dma_start3A_125 = tpu.memref_slice %arg13[%dma_start3A_123, %dma_start3A_124] : memref<2x10000xf32, #tpu.memory_space<vmem>> -> memref<1x10000xf32, #tpu.memory_space<vmem>>
      %dma_start3A_126 = tpu.memref_squeeze %dma_start3A_125 : memref<1x10000xf32, #tpu.memory_space<vmem>> -> memref<10000xf32, #tpu.memory_space<vmem>>
      %dma_start3A_127 = tpu.memref_slice %arg7[%add3A_73] : memref<6400000xf32, #tpu.memory_space<hbm>> -> memref<10000xf32, #tpu.memory_space<hbm>>
      %dma_start3A_128 = tpu.memref_slice %arg7[%add3A_73] : memref<6400000xf32, #tpu.memory_space<hbm>> -> memref<10000xf32, #tpu.memory_space<hbm>>
      %dma_start3A_129 = arith.constant 0 : i32
      %dma_start3A_130 = tpu.memref_slice %arg13[%dma_start3A_123, %dma_start3A_129] : memref<2x10000xf32, #tpu.memory_space<vmem>> -> memref<1x10000xf32, #tpu.memory_space<vmem>>
      %dma_start3A_131 = tpu.memref_squeeze %dma_start3A_130 : memref<1x10000xf32, #tpu.memory_space<vmem>> -> memref<10000xf32, #tpu.memory_space<vmem>>
      tpu.enqueue_dma source(%dma_start3A_131 : memref<10000xf32, #tpu.memory_space<vmem>>) target(%dma_start3A_128 : memref<10000xf32, #tpu.memory_space<hbm>>) target_semaphore(%arg16 : memref<!tpu.dma_semaphore, #tpu.memory_space<semaphore_mem>>)
      %add3A_132 = arith.constant 2 : i32
      %add3A_133 = arith.addi %mul3A_70, %add3A_132 : i32
      %lt3A = arith.constant 20 : i32
      %lt3A_134 = arith.cmpi slt, %add3A_133, %lt3A : i32
      %convert_element_type3A_135 = arith.extui %lt3A_134 : i1 to i32
      %cond3A_136 = arith.constant 0 : i32
      %cond3A_137 = arith.cmpi ne, %convert_element_type3A_135, %cond3A_136 : i32
      scf.if %cond3A_137 {
        %add3A_180 = arith.constant 10000 : i32
        %add3A_181 = arith.addi %add3A_75, %add3A_180 : i32
        %dma_start3A_182 = arith.constant 0 : i32
        %dma_start3A_183 = arith.constant 0 : i32
        %dma_start3A_184 = tpu.memref_slice %arg11[%dma_start3A_182, %dma_start3A_183] : memref<2x10000xi32, #tpu.memory_space<vmem>> -> memref<1x10000xi32, #tpu.memory_space<vmem>>
        %dma_start3A_185 = tpu.memref_squeeze %dma_start3A_184 : memref<1x10000xi32, #tpu.memory_space<vmem>> -> memref<10000xi32, #tpu.memory_space<vmem>>
        %dma_start3A_186 = tpu.memref_slice %arg2[%add3A_181] : memref<6400000xi32, #tpu.memory_space<hbm>> -> memref<10000xi32, #tpu.memory_space<hbm>>
        %dma_start3A_187 = arith.constant 0 : i32
        %dma_start3A_188 = tpu.memref_slice %arg11[%dma_start3A_182, %dma_start3A_187] : memref<2x10000xi32, #tpu.memory_space<vmem>> -> memref<1x10000xi32, #tpu.memory_space<vmem>>
        %dma_start3A_189 = tpu.memref_squeeze %dma_start3A_188 : memref<1x10000xi32, #tpu.memory_space<vmem>> -> memref<10000xi32, #tpu.memory_space<vmem>>
        %dma_start3A_190 = tpu.memref_slice %arg2[%add3A_181] : memref<6400000xi32, #tpu.memory_space<hbm>> -> memref<10000xi32, #tpu.memory_space<hbm>>
        tpu.enqueue_dma source(%dma_start3A_190 : memref<10000xi32, #tpu.memory_space<hbm>>) target(%dma_start3A_189 : memref<10000xi32, #tpu.memory_space<vmem>>) target_semaphore(%arg14 : memref<!tpu.dma_semaphore, #tpu.memory_space<semaphore_mem>>)
        %dma_start3A_191 = arith.constant 0 : i32
        %dma_start3A_192 = arith.constant 0 : i32
        %dma_start3A_193 = tpu.memref_slice %arg12[%dma_start3A_191, %dma_start3A_192] : memref<2x10000xf32, #tpu.memory_space<vmem>> -> memref<1x10000xf32, #tpu.memory_space<vmem>>
        %dma_start3A_194 = tpu.memref_squeeze %dma_start3A_193 : memref<1x10000xf32, #tpu.memory_space<vmem>> -> memref<10000xf32, #tpu.memory_space<vmem>>
        %dma_start3A_195 = tpu.memref_slice %arg3[%add3A_181] : memref<6400000xf32, #tpu.memory_space<hbm>> -> memref<10000xf32, #tpu.memory_space<hbm>>
        %dma_start3A_196 = arith.constant 0 : i32
        %dma_start3A_197 = tpu.memref_slice %arg12[%dma_start3A_191, %dma_start3A_196] : memref<2x10000xf32, #tpu.memory_space<vmem>> -> memref<1x10000xf32, #tpu.memory_space<vmem>>
        %dma_start3A_198 = tpu.memref_squeeze %dma_start3A_197 : memref<1x10000xf32, #tpu.memory_space<vmem>> -> memref<10000xf32, #tpu.memory_space<vmem>>
        %dma_start3A_199 = tpu.memref_slice %arg3[%add3A_181] : memref<6400000xf32, #tpu.memory_space<hbm>> -> memref<10000xf32, #tpu.memory_space<hbm>>
        tpu.enqueue_dma source(%dma_start3A_199 : memref<10000xf32, #tpu.memory_space<hbm>>) target(%dma_start3A_198 : memref<10000xf32, #tpu.memory_space<vmem>>) target_semaphore(%arg14 : memref<!tpu.dma_semaphore, #tpu.memory_space<semaphore_mem>>)
      } else {
      }
      %dma_wait3A_138 = arith.constant 1 : i32
      %dma_wait3A_139 = arith.constant 0 : i32
      %dma_wait3A_140 = tpu.memref_slice %arg11[%dma_wait3A_138, %dma_wait3A_139] : memref<2x10000xi32, #tpu.memory_space<vmem>> -> memref<1x10000xi32, #tpu.memory_space<vmem>>
      %dma_wait3A_141 = tpu.memref_squeeze %dma_wait3A_140 : memref<1x10000xi32, #tpu.memory_space<vmem>> -> memref<10000xi32, #tpu.memory_space<vmem>>
      %dma_wait3A_142 = arith.constant 0 : i32
      %dma_wait3A_143 = tpu.memref_slice %arg2[%dma_wait3A_142] : memref<6400000xi32, #tpu.memory_space<hbm>> -> memref<10000xi32, #tpu.memory_space<hbm>>
      %dma_wait3A_144 = arith.constant 0 : i32
      %dma_wait3A_145 = tpu.memref_slice %arg11[%dma_wait3A_138, %dma_wait3A_144] : memref<2x10000xi32, #tpu.memory_space<vmem>> -> memref<1x10000xi32, #tpu.memory_space<vmem>>
      %dma_wait3A_146 = tpu.memref_squeeze %dma_wait3A_145 : memref<1x10000xi32, #tpu.memory_space<vmem>> -> memref<10000xi32, #tpu.memory_space<vmem>>
      %dma_wait3A_147 = arith.constant 0 : i32
      %dma_wait3A_148 = tpu.memref_slice %arg2[%dma_wait3A_147] : memref<6400000xi32, #tpu.memory_space<hbm>> -> memref<10000xi32, #tpu.memory_space<hbm>>
      tpu.wait_dma2 semaphore(%arg15 : memref<!tpu.dma_semaphore, #tpu.memory_space<semaphore_mem>>) src(%dma_wait3A_148 : memref<10000xi32, #tpu.memory_space<hbm>>) dst(%dma_wait3A_146 : memref<10000xi32, #tpu.memory_space<vmem>>)
      %dma_wait3A_149 = arith.constant 1 : i32
      %dma_wait3A_150 = arith.constant 0 : i32
      %dma_wait3A_151 = tpu.memref_slice %arg12[%dma_wait3A_149, %dma_wait3A_150] : memref<2x10000xf32, #tpu.memory_space<vmem>> -> memref<1x10000xf32, #tpu.memory_space<vmem>>
      %dma_wait3A_152 = tpu.memref_squeeze %dma_wait3A_151 : memref<1x10000xf32, #tpu.memory_space<vmem>> -> memref<10000xf32, #tpu.memory_space<vmem>>
      %dma_wait3A_153 = arith.constant 0 : i32
      %dma_wait3A_154 = tpu.memref_slice %arg3[%dma_wait3A_153] : memref<6400000xf32, #tpu.memory_space<hbm>> -> memref<10000xf32, #tpu.memory_space<hbm>>
      %dma_wait3A_155 = arith.constant 0 : i32
      %dma_wait3A_156 = tpu.memref_slice %arg12[%dma_wait3A_149, %dma_wait3A_155] : memref<2x10000xf32, #tpu.memory_space<vmem>> -> memref<1x10000xf32, #tpu.memory_space<vmem>>
      %dma_wait3A_157 = tpu.memref_squeeze %dma_wait3A_156 : memref<1x10000xf32, #tpu.memory_space<vmem>> -> memref<10000xf32, #tpu.memory_space<vmem>>
      %dma_wait3A_158 = arith.constant 0 : i32
      %dma_wait3A_159 = tpu.memref_slice %arg3[%dma_wait3A_158] : memref<6400000xf32, #tpu.memory_space<hbm>> -> memref<10000xf32, #tpu.memory_space<hbm>>
      tpu.wait_dma2 semaphore(%arg15 : memref<!tpu.dma_semaphore, #tpu.memory_space<semaphore_mem>>) src(%dma_wait3A_159 : memref<10000xf32, #tpu.memory_space<hbm>>) dst(%dma_wait3A_157 : memref<10000xf32, #tpu.memory_space<vmem>>)
      %gt3A_160 = arith.constant 0 : i32
      %gt3A_161 = arith.cmpi sgt, %scan3A_68, %gt3A_160 : i32
      %convert_element_type3A_162 = arith.extui %gt3A_161 : i1 to i32
      %cond3A_163 = arith.constant 0 : i32
      %cond3A_164 = arith.cmpi ne, %convert_element_type3A_162, %cond3A_163 : i32
      scf.if %cond3A_164 {
        %dma_wait3A_180 = arith.constant 1 : i32
        %dma_wait3A_181 = arith.constant 0 : i32
        %dma_wait3A_182 = tpu.memref_slice %arg13[%dma_wait3A_180, %dma_wait3A_181] : memref<2x10000xf32, #tpu.memory_space<vmem>> -> memref<1x10000xf32, #tpu.memory_space<vmem>>
        %dma_wait3A_183 = tpu.memref_squeeze %dma_wait3A_182 : memref<1x10000xf32, #tpu.memory_space<vmem>> -> memref<10000xf32, #tpu.memory_space<vmem>>
        %dma_wait3A_184 = arith.constant 0 : i32
        %dma_wait3A_185 = tpu.memref_slice %arg7[%dma_wait3A_184] : memref<6400000xf32, #tpu.memory_space<hbm>> -> memref<10000xf32, #tpu.memory_space<hbm>>
        %dma_wait3A_186 = arith.constant 0 : i32
        %dma_wait3A_187 = tpu.memref_slice %arg7[%dma_wait3A_186] : memref<6400000xf32, #tpu.memory_space<hbm>> -> memref<10000xf32, #tpu.memory_space<hbm>>
        %dma_wait3A_188 = arith.constant 0 : i32
        %dma_wait3A_189 = tpu.memref_slice %arg13[%dma_wait3A_180, %dma_wait3A_188] : memref<2x10000xf32, #tpu.memory_space<vmem>> -> memref<1x10000xf32, #tpu.memory_space<vmem>>
        %dma_wait3A_190 = tpu.memref_squeeze %dma_wait3A_189 : memref<1x10000xf32, #tpu.memory_space<vmem>> -> memref<10000xf32, #tpu.memory_space<vmem>>
        tpu.wait_dma2 semaphore(%arg17 : memref<!tpu.dma_semaphore, #tpu.memory_space<semaphore_mem>>) src(%dma_wait3A_190 : memref<10000xf32, #tpu.memory_space<vmem>>) dst(%dma_wait3A_187 : memref<10000xf32, #tpu.memory_space<hbm>>)
      } else {
      }
      %parallel_loop3A_165 = arith.constant 0 : i32
      %parallel_loop3A_166 = arith.constant 10000 : i32
      %parallel_loop3A_167 = arith.constant 16 : i32
      %parallel_loop3A_168 = arith.constant 1 : i32
      %parallel_loop3A_169 = arith.constant 1 : i32
      %parallel_loop3A_170 = arith.constant 1 : i32
      scf.for %parallel_loop3A_180 = %parallel_loop3A_165 to %parallel_loop3A_166 step %parallel_loop3A_167  : i32 {
        %parallel_loop3A_181 = tpu.assume_multiple %parallel_loop3A_180, 16 : i32
        %parallel_loop3A_182 = arith.constant 0 : i32
        %parallel_loop3A_183 = tpu.memref_slice %arg11[%parallel_loop3A_168, %parallel_loop3A_182] : memref<2x10000xi32, #tpu.memory_space<vmem>> -> memref<1x10000xi32, #tpu.memory_space<vmem>>
        %parallel_loop3A_184 = tpu.memref_squeeze %parallel_loop3A_183 : memref<1x10000xi32, #tpu.memory_space<vmem>> -> memref<10000xi32, #tpu.memory_space<vmem>>
        %parallel_loop3A_185 = arith.index_cast %parallel_loop3A_181 : i32 to index
        %parallel_loop3A_186 = tpu.vector_load %parallel_loop3A_184[%parallel_loop3A_185] {strides = array<i32>} : memref<10000xi32, #tpu.memory_space<vmem>>, vector<16xi32>,
        %parallel_loop3A_187 = arith.constant 0 : i32
        %parallel_loop3A_188 = tpu.memref_slice %arg12[%parallel_loop3A_169, %parallel_loop3A_187] : memref<2x10000xf32, #tpu.memory_space<vmem>> -> memref<1x10000xf32, #tpu.memory_space<vmem>>
        %parallel_loop3A_189 = tpu.memref_squeeze %parallel_loop3A_188 : memref<1x10000xf32, #tpu.memory_space<vmem>> -> memref<10000xf32, #tpu.memory_space<vmem>>
        %parallel_loop3A_190 = arith.index_cast %parallel_loop3A_181 : i32 to index
        %parallel_loop3A_191 = tpu.vector_load %parallel_loop3A_189[%parallel_loop3A_190] {strides = array<i32>} : memref<10000xf32, #tpu.memory_space<vmem>>, vector<16xf32>,
        %parallel_loop3A_192 = tpu.vector_load_idx %arg8[%parallel_loop3A_186] : memref<16xf32, #tpu.memory_space<vmem>>[vector<16xi32>], vector<16xf32>,
        %parallel_loop3A_193 = tpu.vector_load_idx %arg9[%parallel_loop3A_186] : memref<16xf32, #tpu.memory_space<vmem>>[vector<16xi32>], vector<16xf32>,
        %parallel_loop3A_194 = math.absf %parallel_loop3A_193 : vector<16xf32>
        %parallel_loop3A_195 = arith.mulf %parallel_loop3A_191, %parallel_loop3A_194 : vector<16xf32>
        %parallel_loop3A_196 = math.absf %parallel_loop3A_192 : vector<16xf32>
        %parallel_loop3A_197 = arith.subf %parallel_loop3A_195, %parallel_loop3A_196 : vector<16xf32>
        %parallel_loop3A_198 = arith.constant 0.000000e+00 : f32
        %parallel_loop3A_199 = vector.broadcast %parallel_loop3A_198 : f32 to vector<16xf32>
        %parallel_loop3A_200 = arith.maximumf %parallel_loop3A_197, %parallel_loop3A_199 : vector<16xf32>
        %parallel_loop3A_201 = arith.mulf %parallel_loop3A_200, %parallel_loop3A_200 : vector<16xf32>
        %parallel_loop3A_202 = arith.mulf %parallel_loop3A_201, %parallel_loop3A_201 : vector<16xf32>
        %parallel_loop3A_203 = arith.constant 0.000000e+00 : f32
        %parallel_loop3A_204 = vector.broadcast %parallel_loop3A_203 : f32 to vector<16xf32>
        %parallel_loop3A_205 = arith.cmpf olt, %parallel_loop3A_193, %parallel_loop3A_204 : vector<16xf32>
        %parallel_loop3A_206 = arith.constant 1.000000e+00 : f32
        %parallel_loop3A_207 = vector.broadcast %parallel_loop3A_206 : f32 to vector<16xf32>
        %parallel_loop3A_208 = arith.select %parallel_loop3A_205, %parallel_loop3A_201, %parallel_loop3A_207 : vector<16xi1>, vector<16xf32>
        %parallel_loop3A_209 = arith.mulf %parallel_loop3A_202, %parallel_loop3A_208 : vector<16xf32>
        %parallel_loop3A_210 = arith.constant 0.000000e+00 : f32
        %parallel_loop3A_211 = vector.broadcast %parallel_loop3A_210 : f32 to vector<16xf32>
        %parallel_loop3A_212 = arith.cmpf olt, %parallel_loop3A_192, %parallel_loop3A_211 : vector<16xf32>
        %parallel_loop3A_213 = arith.mulf %parallel_loop3A_209, %parallel_loop3A_202 : vector<16xf32>
        %parallel_loop3A_214 = arith.select %parallel_loop3A_212, %parallel_loop3A_213, %parallel_loop3A_209 : vector<16xi1>, vector<16xf32>
        %parallel_loop3A_215 = arith.constant 1.000000e+00 : f32
        %parallel_loop3A_216 = vector.broadcast %parallel_loop3A_215 : f32 to vector<16xf32>
        %parallel_loop3A_217 = arith.addf %parallel_loop3A_216, %parallel_loop3A_214 : vector<16xf32>
        %parallel_loop3A_218 = arith.constant 1.000000e+00 : f32
        %parallel_loop3A_219 = vector.broadcast %parallel_loop3A_218 : f32 to vector<16xf32>
        %parallel_loop3A_220 = arith.divf %parallel_loop3A_219, %parallel_loop3A_217 : vector<16xf32>
        %parallel_loop3A_221 = arith.constant 0 : i32
        %parallel_loop3A_222 = tpu.memref_slice %arg13[%parallel_loop3A_170, %parallel_loop3A_221] : memref<2x10000xf32, #tpu.memory_space<vmem>> -> memref<1x10000xf32, #tpu.memory_space<vmem>>
        %parallel_loop3A_223 = tpu.memref_squeeze %parallel_loop3A_222 : memref<1x10000xf32, #tpu.memory_space<vmem>> -> memref<10000xf32, #tpu.memory_space<vmem>>
        %parallel_loop3A_224 = arith.index_cast %parallel_loop3A_181 : i32 to index
        %parallel_loop3A_225 = tpu.vector_load %parallel_loop3A_223[%parallel_loop3A_224] {strides = array<i32>} : memref<10000xf32, #tpu.memory_space<vmem>>, vector<16xf32>,
        tpu.vector_store %parallel_loop3A_223[%parallel_loop3A_224], %parallel_loop3A_220 {strides = array<i32>} : memref<10000xf32, #tpu.memory_space<vmem>>, vector<16xf32>,
      } {sc.loop_unroll_factor = 5 : i64, sc.parallel_access}
      %dma_start3A_171 = arith.constant 1 : i32
      %dma_start3A_172 = arith.constant 0 : i32
      %dma_start3A_173 = tpu.memref_slice %arg13[%dma_start3A_171, %dma_start3A_172] : memref<2x10000xf32, #tpu.memory_space<vmem>> -> memref<1x10000xf32, #tpu.memory_space<vmem>>
      %dma_start3A_174 = tpu.memref_squeeze %dma_start3A_173 : memref<1x10000xf32, #tpu.memory_space<vmem>> -> memref<10000xf32, #tpu.memory_space<vmem>>
      %dma_start3A_175 = tpu.memref_slice %arg7[%add3A_75] : memref<6400000xf32, #tpu.memory_space<hbm>> -> memref<10000xf32, #tpu.memory_space<hbm>>
      %dma_start3A_176 = tpu.memref_slice %arg7[%add3A_75] : memref<6400000xf32, #tpu.memory_space<hbm>> -> memref<10000xf32, #tpu.memory_space<hbm>>
      %dma_start3A_177 = arith.constant 0 : i32
      %dma_start3A_178 = tpu.memref_slice %arg13[%dma_start3A_171, %dma_start3A_177] : memref<2x10000xf32, #tpu.memory_space<vmem>> -> memref<1x10000xf32, #tpu.memory_space<vmem>>
      %dma_start3A_179 = tpu.memref_squeeze %dma_start3A_178 : memref<1x10000xf32, #tpu.memory_space<vmem>> -> memref<10000xf32, #tpu.memory_space<vmem>>
      tpu.enqueue_dma source(%dma_start3A_179 : memref<10000xf32, #tpu.memory_space<vmem>>) target(%dma_start3A_176 : memref<10000xf32, #tpu.memory_space<hbm>>) target_semaphore(%arg17 : memref<!tpu.dma_semaphore, #tpu.memory_space<semaphore_mem>>)
    }
    %scan3A_46 = arith.constant 10 : i32
    %dma_wait3A = arith.constant 0 : i32
    %dma_wait3A_47 = arith.constant 0 : i32
    %dma_wait3A_48 = tpu.memref_slice %arg13[%dma_wait3A, %dma_wait3A_47] : memref<2x10000xf32, #tpu.memory_space<vmem>> -> memref<1x10000xf32, #tpu.memory_space<vmem>>
    %dma_wait3A_49 = tpu.memref_squeeze %dma_wait3A_48 : memref<1x10000xf32, #tpu.memory_space<vmem>> -> memref<10000xf32, #tpu.memory_space<vmem>>
    %dma_wait3A_50 = arith.constant 0 : i32
    %dma_wait3A_51 = tpu.memref_slice %arg7[%dma_wait3A_50] : memref<6400000xf32, #tpu.memory_space<hbm>> -> memref<10000xf32, #tpu.memory_space<hbm>>
    %dma_wait3A_52 = arith.constant 0 : i32
    %dma_wait3A_53 = tpu.memref_slice %arg7[%dma_wait3A_52] : memref<6400000xf32, #tpu.memory_space<hbm>> -> memref<10000xf32, #tpu.memory_space<hbm>>
    %dma_wait3A_54 = arith.constant 0 : i32
    %dma_wait3A_55 = tpu.memref_slice %arg13[%dma_wait3A, %dma_wait3A_54] : memref<2x10000xf32, #tpu.memory_space<vmem>> -> memref<1x10000xf32, #tpu.memory_space<vmem>>
    %dma_wait3A_56 = tpu.memref_squeeze %dma_wait3A_55 : memref<1x10000xf32, #tpu.memory_space<vmem>> -> memref<10000xf32, #tpu.memory_space<vmem>>
    tpu.wait_dma2 semaphore(%arg16 : memref<!tpu.dma_semaphore, #tpu.memory_space<semaphore_mem>>) src(%dma_wait3A_56 : memref<10000xf32, #tpu.memory_space<vmem>>) dst(%dma_wait3A_53 : memref<10000xf32, #tpu.memory_space<hbm>>)
    %dma_wait3A_57 = arith.constant 1 : i32
    %dma_wait3A_58 = arith.constant 0 : i32
    %dma_wait3A_59 = tpu.memref_slice %arg13[%dma_wait3A_57, %dma_wait3A_58] : memref<2x10000xf32, #tpu.memory_space<vmem>> -> memref<1x10000xf32, #tpu.memory_space<vmem>>
    %dma_wait3A_60 = tpu.memref_squeeze %dma_wait3A_59 : memref<1x10000xf32, #tpu.memory_space<vmem>> -> memref<10000xf32, #tpu.memory_space<vmem>>
    %dma_wait3A_61 = arith.constant 0 : i32
    %dma_wait3A_62 = tpu.memref_slice %arg7[%dma_wait3A_61] : memref<6400000xf32, #tpu.memory_space<hbm>> -> memref<10000xf32, #tpu.memory_space<hbm>>
    %dma_wait3A_63 = arith.constant 0 : i32
    %dma_wait3A_64 = tpu.memref_slice %arg7[%dma_wait3A_63] : memref<6400000xf32, #tpu.memory_space<hbm>> -> memref<10000xf32, #tpu.memory_space<hbm>>
    %dma_wait3A_65 = arith.constant 0 : i32
    %dma_wait3A_66 = tpu.memref_slice %arg13[%dma_wait3A_57, %dma_wait3A_65] : memref<2x10000xf32, #tpu.memory_space<vmem>> -> memref<1x10000xf32, #tpu.memory_space<vmem>>
    %dma_wait3A_67 = tpu.memref_squeeze %dma_wait3A_66 : memref<1x10000xf32, #tpu.memory_space<vmem>> -> memref<10000xf32, #tpu.memory_space<vmem>>
    tpu.wait_dma2 semaphore(%arg17 : memref<!tpu.dma_semaphore, #tpu.memory_space<semaphore_mem>>) src(%dma_wait3A_67 : memref<10000xf32, #tpu.memory_space<vmem>>) dst(%dma_wait3A_64 : memref<10000xf32, #tpu.memory_space<hbm>>)
    return
  }
}

</mosaic_0001>

<sc_bundles>
// kernel: kernel.3.cloned.1.call-start
scs
__scs_entry_jumppad:
0x0: {  	(pc) =	sbr.rel $0x88, $3  }
0x1: {  	(tag) =	ssettag $0x0;
	lr =	simm.s32 $0x1  }
0x2: {  	[smem:$0x3F9C] =	sst lr;
	_ =	strace $0xD0000000  }
0x3: {  	_ = 	snop  }
0x4: {  	_ = 	snop  }
0x5: {  	_ = 	snop  }
0x6: {  	_ = 	snop  }
0x7: {  	_ = 	snop  }
__scs_overlays_trampoline_lowered:
0x8: {  	[smem:$0x3FAB] =	sst s0  }
0x9: {  	[smem:$0x3FAC] =	sst s1  }
0xa: {  	[smem:$0x3FAD] =	sst s2  }
0xb: {  	[smem:$0x3FAE] =	sst s3  }
0xc: {  	[smem:$0x3FAF] =	sst s4  }
0xd: {  	[smem:$0x3FB0] =	sst s5  }
0xe: {  	[smem:$0x3FB1] =	sst s6  }
0xf: {  	[smem:$0x3FB2] =	sst s7  }
0x10: {  	[smem:$0x3FB3] =	sst s8  }
0x11: {  	[smem:$0x3FB4] =	sst s9;
	s0 =	simm.s32 @!p0 $0x0  }
0x12: {  	s1 =	sld [smem:$0x3F9A];
	s0 =	simm.s32 @p0 $0x1  }
0x13: {  	[smem:$0x3FB5] =	sst s0;
	s0 =	simm.s32 @!p1 $0x0  }
0x14: {  	s2 =	sld [smem:$0x3F99];
	s0 =	simm.s32 @p1 $0x1  }
0x15: {  	[smem:$0x3FB6] =	sst s0;
	s0 =	simm.s32 @!p2 $0x0  }
0x16: {  	s3 =	sld [smem:$0x3FDB];
	s0 =	simm.s32 @p2 $0x1  }
0x17: {  	s4 =	simm.s32 $0x1BF5;
	[smem:$0x3FB8] =	sst s0  }
0x18: {  	s0 =	sld [smem:$0x3F9B];
	_ =	swait.ge [sflag:s4], $0x0  }
0x19: {  	s7 =	sld [smem:$0x3F9C]  }
0x1a: {  	s8 =	sadd.s32 $0xFFFFE003, lr  }
0x1b: {  	s9 =	sadd.s32 $0xFFFFFEF7, lr;
	s5 =	simm.s32 $0xFFFFFFFF;
	p2 =	slt.u32 s8, $0xFFFFF086  }
0x1c: {  	p1 =	slt.u32 s9, $0xF7A;
	s5 =	simm.s32 @!p2 $0x0  }
0x1d: {  	s5 =	simm.s32 @p1 $0x1;
	p0 =	seq.s32 s7, s2  }
0x1e: {  	s7 =	smul.u32 @!p0 $0xF7A, s2;
	p2 =	seq.s32 @!p0 s5, $0x0  }
0x1f: {  	s9 =	smul.u32 $0xF7A, s1;
	s8 =	simm.s32 @!p0 $0x1BF5;
	p2 =	por !p2, p0  }
0x20: {  	[sflag:s8] =	ssyncset.s32 @!p0 $0xFFFFF086;
	s6 =	sadd.s32 @!p0 s3, s7;
	s7 =	simm.s32 @!p0 $0x108  }
0x21: {  	s3 =	sadd.s32 s3, s9;
	s6 =	sadd.s32 @!p0 $0x88, s6;
	s7 =	simm.s32 @p2 $0x1082  }
0x22: {  	[simem:s7], [sflag:s8] =	dma.local @!p0 [hbm:s6], $0xF7A  }
0x23: {  	s9 =	sor.u32 $0xD0000000, s2;
	s6 =	simm.s32 $0x108;
	_ =	swait.ge @!p0 [sflag:s8], $0x0  }
0x24: {  	s3 =	sadd.s32 $0x88, s3;
	s6 =	simm.s32 @!p1 $0x1082;
	[sflag:s4] =	ssyncset.s32 $0xFFFFF086  }
0x25: {  	[simem:s6], [sflag:s4] =	dma.local [hbm:s3], $0xF7A  }
0x26: {  	[smem:$0x3F9C] =	sst s1;
	(tag) =	ssettag s2;
	_ =	strace s9  }
0x27: {  	s1 =	sld [smem:$0x3FAC]  }
0x28: {  	s2 =	sld [smem:$0x3FAD]  }
0x29: {  	s4 =	sld [smem:$0x3FAF]  }
0x2a: {  	p0 =	seq.s32 s5, $0x0;
	s5 =	sld [smem:$0x3FB0]  }
0x2b: {  	s6 =	sld [smem:$0x3FB1]  }
0x2c: {  	s7 =	sld [smem:$0x3FB2]  }
0x2d: {  	s3 =	simm.s32 $0x108;
	s8 =	sld [smem:$0x3FB3]  }
0x2e: {  	s3 =	simm.s32 @!p0 $0x1082;
	s9 =	sld [smem:$0x3FB4]  }
0x2f: {  	lr =	sadd.s32 s0, s3;
	s0 =	sld [smem:$0x3FAB]  }
0x30: {  	s3 =	sld [smem:$0x3FAE]  }
0x31: {  	[smem:$0x3FB7] =	sst s10  }
0x32: {  	s10 =	sld [smem:$0x3FB5];
	_ =	sdelay $0x3  }
0x33: {  	p0 =	seq.s32 s10, $0x1;
	s10 =	sld [smem:$0x3FB7];
	_ =	sdelay $0x3  }
0x34: {  	[smem:$0x3FB7] =	sst s10  }
0x35: {  	s10 =	sld [smem:$0x3FB6];
	_ =	sdelay $0x3  }
0x36: {  	p1 =	seq.s32 s10, $0x1;
	s10 =	sld [smem:$0x3FB7];
	_ =	sdelay $0x3  }
0x37: {  	[smem:$0x3FB7] =	sst s10  }
0x38: {  	s10 =	sld [smem:$0x3FB8]  }
0x39: {  	_ = 	snop;
	(pc) =	sbr.ind lr, $3  }
0x3a: {  	_ = 	snop  }
0x3b: {  	_ = 	snop  }
0x3c: {  	p2 =	seq.s32 s10, $0x1;
	s10 =	sld [smem:$0x3FB7]  }
0x3d: {  	_ =	shalt  }
0x3e: {  	_ =	shalt  }
0x3f: {  	_ =	shalt  }
0x40: {  	_ =	shalt  }
0x41: {  	_ =	shalt  }
0x42: {  	_ =	shalt  }
0x43: {  	_ =	shalt  }
0x44: {  	_ =	shalt  }
0x45: {  	_ =	shalt  }
0x46: {  	_ =	shalt  }
0x47: {  	_ =	shalt  }
0x48: {  	_ =	shalt  }
0x49: {  	_ =	shalt  }
0x4a: {  	_ =	shalt  }
0x4b: {  	_ =	shalt  }
0x4c: {  	_ =	shalt  }
0x4d: {  	_ =	shalt  }
0x4e: {  	_ =	shalt  }
0x4f: {  	_ =	shalt  }
0x50: {  	_ =	shalt  }
0x51: {  	_ =	shalt  }
0x52: {  	_ =	shalt  }
0x53: {  	_ =	shalt  }
0x54: {  	_ =	shalt  }
0x55: {  	_ =	shalt  }
0x56: {  	_ =	shalt  }
0x57: {  	_ =	shalt  }
0x58: {  	_ =	shalt  }
0x59: {  	_ =	shalt  }
0x5a: {  	_ =	shalt  }
0x5b: {  	_ =	shalt  }
0x5c: {  	_ =	shalt  }
0x5d: {  	_ =	shalt  }
0x5e: {  	_ =	shalt  }
0x5f: {  	_ =	shalt  }
0x60: {  	_ =	shalt  }
0x61: {  	_ =	shalt  }
0x62: {  	_ =	shalt  }
0x63: {  	_ =	shalt  }
0x64: {  	_ =	shalt  }
0x65: {  	_ =	shalt  }
0x66: {  	_ =	shalt  }
0x67: {  	_ =	shalt  }
0x68: {  	_ =	shalt  }
0x69: {  	_ =	shalt  }
0x6a: {  	_ =	shalt  }
0x6b: {  	_ =	shalt  }
0x6c: {  	_ =	shalt  }
0x6d: {  	_ =	shalt  }
0x6e: {  	_ =	shalt  }
0x6f: {  	_ =	shalt  }
0x70: {  	_ =	shalt  }
0x71: {  	_ =	shalt  }
0x72: {  	_ =	shalt  }
0x73: {  	_ =	shalt  }
0x74: {  	_ =	shalt  }
0x75: {  	_ =	shalt  }
0x76: {  	_ =	shalt  }
0x77: {  	_ =	shalt  }
0x78: {  	_ =	shalt  }
0x79: {  	_ =	shalt  }
0x7a: {  	_ =	shalt  }
0x7b: {  	_ =	shalt  }
0x7c: {  	_ =	shalt  }
0x7d: {  	_ =	shalt  }
0x7e: {  	_ =	shalt  }
0x7f: {  	_ =	shalt  }
0x80: {  	_ =	shalt  }
0x81: {  	_ =	shalt  }
0x82: {  	_ =	shalt  }
0x83: {  	_ =	shalt  }
0x84: {  	_ =	shalt  }
0x85: {  	_ =	shalt  }
0x86: {  	_ =	shalt  }
0x87: {  	_ =	shalt  }
.Lfunc_end0:
.L_simem_size_0:
called_computation_lowered:
.L_overlay_start_0:
0x88: {  	s2 =	sld [smem:$0x3FD9]  }
0x89: {  	s3 =	sld [smem:$0x3FFE];
	_ =	sdelay $0x1  }
0x8a: {  	s1 =	srdreg.scid  }
0x8b: {  	s0 =	sand.u32 $0x1, s1  }
0x8c: {  	s18 =	sshll.u32 s0, $0xA;
	s2 =	sadd.s32 s3, s2  }
0x8d: {  	s2 =	sadd.s32 s2, s18  }
0x8e: {  	[smem:$0x3FC3] =	sst s2  }
0x8f: {  	_ = 	snop  }
0x90: {  	s2 =	sld [smem:$0x3FC9]  }
0x91: {  	s19 =	sld [smem:$0x3FC8]  }
0x92: {  	s4 =	sld [smem:$0x3FC7]  }
0x93: {  	s5 =	sld [smem:$0x3FC6]  }
0x94: {  	s6 =	sld [smem:$0x3FC5]  }
0x95: {  	s7 =	sld [smem:$0x3FD0];
	(tm) =	ssettm $0x1  }
0x96: {  	s8 =	sld [smem:$0x3FFB];
	_ =	sdelay $0x3  }
0x97: {  	_ =	strace s8  }
0x98: {  	s8 =	sld [smem:$0x3FFC];
	_ =	sdelay $0x3  }
0x99: {  	_ =	strace s8  }
0x9a: {  	s8 =	sld [smem:$0x3FFD];
	_ =	sdelay $0x3  }
0x9b: {  	_ =	strace s8  }
0x9c: {  	_ =	strace $0x8FFFFFFF  }
0x9d: {  	s20 =	sld [smem:$0x3FDB];
	_ =	sdelay $0x1  }
0x9e: {  	s9 =	simm.s32 $_scs_section_size  }
0x9f: {  	s10 =	simm.s32 $_size__tile_overlayer_lowered;
	s11 =	simm.s32 $_tile_overlayer_lowered  }
0xa0: {  	s23 =	simm.s32 $0x1BFF;
	s22 =	sshll.u32 s11, $0x1;
	s8 =	sadd.s32 s9, s20  }
0xa1: {  	s12 =	simm.s32 $0x0;
	s21 =	sshll.u32 s10, $0x1;
	s10 =	sadd.s32 s22, s8  }
0xa2: {  	[timem:s12], [sflag:s23] =	dma.local [hbm:s10], s21  }
0xa3: {  	_ =	swait.ge [sflag:s23], s21  }
0xa4: {  	s9 =	ssub.s32 $0x0, s21;
	[sflag:s23] =	ssyncset.done $0x0  }
0xa5: {  	[sflag:s23] =	ssyncadd.s32 s9;
	_ =	sdelay $0x1  }
0xa6: {  	s24 =	simm.s32 $0x1B8B  }
0xa7: {  	_ =	swait.ge [sflag:s24], $0x1  }
0xa8: {  	[sflag:s24] =	ssyncset.done $0x0  }
0xa9: {  	s25 =	simm.s32 $0x1B8E;
	[sflag:s24] =	ssyncadd.s32 $0xFFFFFFFF  }
0xaa: {  	s26 =	simm.s32 $execute0_lowered;
	[smem:$0x3FD2] =	sst s25  }
0xab: {  	s9 =	sshll.u32 s26, $0x1;
	_ =	strace $0x80000046;
	[dreg:$0x1] =	wrdreg $0xFFFFFFFF  }
0xac: {  	s28 =	simm.s32 $_size_execute0_lowered;
	s8 =	sadd.s32 s8, s9;
	[dreg:$0x0] =	wrdreg $0x0  }
0xad: {  	s9 =	sshll.u32 s28, $0x1;
	[dreg:$0x2] =	wrdreg s8  }
0xae: {  	[dreg:$0x3] =	wrdreg s9  }
0xaf: {  	[dreg:$0x4] =	wrdreg $0xC0  }
0xb0: {  	_ =	task [dreg:s12], $0x5FFFF  }
0xb1: {  	[dreg:$0x1] =	wrdreg $0xFFFFFFFF  }
0xb2: {  	[dreg:$0x0] =	wrdreg $0x60  }
0xb3: {  	[dreg:$0x2] =	wrdreg s2  }
0xb4: {  	[dreg:$0x3] =	wrdreg s19  }
0xb5: {  	[dreg:$0x4] =	wrdreg s4  }
0xb6: {  	[dreg:$0x5] =	wrdreg s5  }
0xb7: {  	[dreg:$0x6] =	wrdreg s6  }
0xb8: {  	[dreg:$0x7] =	wrdreg s7  }
0xb9: {  	[dreg:$0x8] =	wrdreg $0x9  }
0xba: {  	_ =	task.clear_ibuf [dreg:s12], $0x9FFFF;
	_ =	strace $0x90000046  }
0xbb: {  	s29 =	simm.s32 $0x9;
	_ =	strace $0x80000048  }
0xbc: {  	_ =	swait.ge [sflag:s29], $0x1  }
0xbd: {  	[sflag:s29] =	ssyncadd.s32 $0xFFFFFFFF  }
0xbe: {  	_ =	strace $0x90000048  }
0xbf: {  	_ =	sfence  }
0xc0: {  	s30 =	sld [smem:$0x0];
	_ =	sdelay $0x2  }
0xc1: {  	s31 =	sshll.u32 s1, $0xD;
	s1 =	sshrl.u32 s1, $0x2  }
0xc2: {  	s3 =	sand.u32 $0x4000, s31;
	s1 =	sadd.s32 s1, s30  }
0xc3: {  	s0 =	sor.u32 s3, s0;
	s1 =	sshll.u32 s1, $0x11  }
0xc4: {  	s0 =	sor.u32 s1, s0  }
0xc5: {  	s0 =	sadd.s32 $0x8F2B, s0  }
0xc6: {  	[sflag:s0] =	ssyncadd.remote.s32 $0x1  }
0xc7: {  	_ =	sfence.sel $0xFFFF  }
0xc8: {  	[dreg:$0x0] =	wrdreg $0xFFFFFFFF;
	(pc) =	sbr.abs _section_cstart, $3  }
0xc9: {  	[dreg:$0x1] =	wrdreg $0xFFFFFFFF  }
0xca: {  	_ =	task.clear_ibuf [dreg:s12], $0x2FFFF;
	_ =	strace $0x9FFFFFFF  }
0xcb: {  	(tm) =	ssettm $0x7FFFFFFF  }
tec
execute0_lowered:
.L_overlay_start_1:
0x0: {  	(tag) =	ssettag $0x1  }
0x1: {  	s0 =	rddreg [dreg:$0x0]  }
0x2: {  	s2 =	rddreg [dreg:$0x1];
	s1 =	srdreg.scid  }
0x3: {  	s3 =	stileid.u32;
	s7 =	rddreg [dreg:$0x5];
	s8 =	simm.s32 $0x0  }
0x4: {  	s13 =	simm.s32 $0x5;
	s14 =	simm.s32 $0x10;
	s15 =	simm.s32 $0x20  }
0x5: {  	s16 =	simm.s32 $0x30;
	s17 =	simm.s32 $0x4E50;
	s18 =	simm.s32 $0x2740  }
0x6: {  	s19 =	simm.s32 $0x7560;
	s20 =	simm.s32 $0x1;
	s21 =	simm.s32 $0x9C70  }
0x7: {  	s22 =	simm.s32 $0x2;
	s1 =	sand.u32 $0x1, s1;
	s3 =	sshll.u32 s3, $0x1  }
0x8: {  	s23 =	simm.s32 $0xC380;
	s24 =	simm.s32 $0x3;
	s3 =	sor.u32 s1, s3  }
0x9: {  	s25 =	simm.s32 $0x4;
	s1 =	ssub.s32 $0x2, s1;
	s9 =	smul.u32 $0x30D40, s3  }
0xa: {  	s26 =	simm.s32 $0x0;
	[smem:$0x7FF] =	sst s8;
	s31 =	sshrl.u32 s1, $0x1  }
0xb: {  	_ =	strace $0x80000047;
	s1 =	ssub.s32 s1, s31;
	s4 =	sshrl.u32 s9, $0x3  }
0xc: {  	s12 =	smax.u32 s1, $0x1;
	s10 =	sadd.s32 s0, s4;
	s11 =	sadd.s32 s2, s4  }
.LBB2_1:
0xd: {  	s1 =	rddreg [dreg:$0x2]  }
0xe: {  	[tilespmem:s8], [sflag:$0x5] =	stream.linear.gather [hbm4b:s1+s8], $0x10, $0x38;
	[tilespmem:$0xEA90] =	vst v63  }
0xf: {  	_ =	swait.ge [sflag:s13], $0x10  }
0x10: {  	[sflag:s13] =	ssyncset.done $0x0  }
0x11: {  	[sflag:s13] =	ssyncadd.s32 $0xFFFFFFF0  }
0x12: {  	s30 =	rddreg [dreg:$0x3]  }
0x13: {  	[tilespmem:s14], [sflag:$0x5] =	stream.linear.gather [hbm4b:s30+s8], $0x10, $0x38;
	[tilespmem:$0xEA90] =	vst v63  }
0x14: {  	_ =	swait.ge [sflag:s13], $0x10  }
0x15: {  	[sflag:s13] =	ssyncset.done $0x0  }
0x16: {  	[sflag:s13] =	ssyncadd.s32 $0xFFFFFFF0  }
0x17: {  	s31 =	rddreg [dreg:$0x4]  }
0x18: {  	[tilespmem:s15], [sflag:$0x5] =	stream.linear.gather [hbm4b:s31+s8], $0x10, $0x38;
	[tilespmem:$0xEA90] =	vst v63  }
0x19: {  	_ =	swait.ge [sflag:s13], $0x10  }
0x1a: {  	[sflag:s13] =	ssyncset.done $0x0  }
0x1b: {  	[sflag:s13] =	ssyncadd.s32 $0xFFFFFFF0  }
0x1c: {  	v0 =	vld [tilespmem:$0x10];
	_ =	sdelay $0x4  }
0x1d: {  	(erf) = vrcp.f32 v0;
	_ =	sdelay $0x4  }
0x1e: {  	v63 =	vld [tilespmem:$0x0];
	_ =	sdelay $0x1  }
0x1f: {  	v1 =	vld [tilespmem:$0x20];
	_ =	sdelay $0x1  }
0x20: {  	v2 =	vpop (erf)  }
0x21: {  	v0 =	vmul.f32 v2, v63  }
0x22: {  	v3 =	vsub.f32 $0.0e+00, v2  }
0x23: {  	vm0 =	veq.f32 v1, $6.000000000e+00;
	v4 =	vsub.f32 $0.0e+00, v0  }
0x24: {  	vm15 =	veq.f32 v1, $8.000000000e+00;
	v2 =	vsel vm0, v3, v2  }
0x25: {  	[tilespmem:$0x10] =	vst v2;
	v0 =	vsel vm15, v4, v0  }
0x26: {  	[tilespmem:$0x0] =	vst v0  }
0x27: {  	[tilespmem:s16], [sflag:$0x1] =	stream.linear.gather [hbm4b:s10+s8], $0x2710, $0x38;
	[tilespmem:$0xEA90] =	vst v63  }
0x28: {  	s28 =	simm.s32 $0x0  }
0x29: {  	[tilespmem:s17], [sflag:$0x1] =	stream.linear.gather [hbm4b:s11+s8], $0x2710, $0x38;
	[tilespmem:$0xEA90] =	vst v63  }
.LBB2_2:
0x2a: {  	s1 =	smul.u32 $0x4E20, s28;
	_ =	sdelay $0x1  }
0x2b: {  	s30 =	sadd.s32 s9, s1  }
0x2c: {  	s31 =	sshrl.u32 s30, $0x3  }
0x2d: {  	s29 =	sadd.s32 $0x4E2, s31  }
0x2e: {  	s3 =	sadd.s32 s0, s29  }
0x2f: {  	[tilespmem:s18], [sflag:$0x2] =	stream.linear.gather [hbm4b:s3+s8], $0x2710, $0x38;
	[tilespmem:$0xEA90] =	vst v63  }
0x30: {  	s4 =	sadd.s32 s2, s29  }
0x31: {  	[tilespmem:s19], [sflag:$0x2] =	stream.linear.gather [hbm4b:s4+s8], $0x2710, $0x38;
	[tilespmem:$0xEA90] =	vst v63  }
0x32: {  	_ =	swait.ge [sflag:s20], $0x2710  }
0x33: {  	[sflag:s20] =	ssyncset.done $0x0  }
0x34: {  	[sflag:s20] =	ssyncadd.s32 $0xFFFFD8F0  }
0x35: {  	_ =	swait.ge [sflag:s20], $0x2710  }
0x36: {  	p0 =	seq.s32 s28, $0x0;
	[sflag:s20] =	ssyncset.done $0x0  }
0x37: {  	s1 =	simm.s32 @!p0 $0x3;
	[sflag:s20] =	ssyncadd.s32 $0xFFFFD8F0  }
0x38: {  	_ =	swait.ge @!p0 [sflag:s1], $0x2710  }
0x39: {  	[sflag:s1] =	ssyncset.done @!p0 $0x0  }
0x3a: {  	s5 =	simm.s32 $0x50;
	[sflag:s1] =	ssyncadd.s32 @!p0 $0xFFFFD8F0  }
0x3b: {  	v0 =	vld [tilespmem:s5+$0x0]  }
0x3c: {  	v1 =	vld [tilespmem:s5+$0x20];
	_ =	sdelay $0x2  }
0x3d: {  	v3 =	vld [tilespmem:s5+$0xFFFFFFF0]  }
0x3e: {  	v2 =	vld [tilespmem:s5+$0xFFFFFFE0]  }
0x3f: {  	s3 =	simm.s32 $0x4E70;
	v5 =	vld [tilespmem:s5+$0x10]  }
0x40: {  	v6 =	vld [tilespmem:s3+$0x20]  }
0x41: {  	v8 =	vld.idx.msk [tilespmem:v0+s8+$0x0], $0xffff  }
0x42: {  	v9 =	vld.idx.msk [tilespmem:v1+s14+$0x0], $0xffff  }
0x43: {  	v0 =	vld.idx.msk [tilespmem:v0+s14+$0x0], $0xffff  }
0x44: {  	v1 =	vld.idx.msk [tilespmem:v1+s8+$0x0], $0xffff  }
0x45: {  	v10 =	vld.idx.msk [tilespmem:v3+s8+$0x0], $0xffff  }
0x46: {  	v11 =	vld.idx.msk [tilespmem:v2+s14+$0x0], $0xffff  }
0x47: {  	v2 =	vld.idx.msk [tilespmem:v2+s8+$0x0], $0xffff  }
0x48: {  	v13 =	vld.idx.msk [tilespmem:v5+s14+$0x0], $0xffff  }
0x49: {  	v4 =	vld [tilespmem:s3+$0x0]  }
0x4a: {  	v7 =	vld [tilespmem:s3+$0xFFFFFFE0]  }
0x4b: {  	v3 =	vld.idx.msk [tilespmem:v3+s14+$0x0], $0xffff;
	v12 =	vand.u32 $0x7FFFFFFF, v9;
	v14 =	vand.u32 $0x7FFFFFFF, v1;
	v15 =	vand.u32 $0x7FFFFFFF, v0  }
0x4c: {  	v5 =	vld.idx.msk [tilespmem:v5+s8+$0x0], $0xffff;
	vm0 =	vlt.f32 v9, $0.0e+00;
	v9 =	vand.u32 $0x7FFFFFFF, v10;
	v6 =	vmul.f32 v12, v6  }
0x4d: {  	v16 =	vand.u32 $0x7FFFFFFF, v8;
	v17 =	vand.u32 $0x7FFFFFFF, v13;
	vm1 =	vlt.f32 v2, $0.0e+00;
	v12 =	vld [tilespmem:s3+$0x10]  }
0x4e: {  	v4 =	vmul.f32 v15, v4;
	v6 =	vsub.f32 v6, v14;
	v14 =	vand.u32 $0x7FFFFFFF, v11  }
0x4f: {  	s6 =	simm.s32 $0xA0;
	vm2 =	vlt.f32 v0, $0.0e+00;
	vm3 =	vlt.f32 v11, $0.0e+00;
	v7 =	vmul.f32 v14, v7  }
0x50: {  	v15 =	vand.u32 $0x7FFFFFFF, v2;
	v4 =	vsub.f32 v4, v16;
	v16 =	vld [tilespmem:s6+$0x0];
	v6 =	vmax.f32 v6, $0.0e+00  }
0x51: {  	vm4 =	vlt.f32 v1, $0.0e+00;
	v14 =	vld [tilespmem:s3+$0xFFFFFFF0];
	v6 =	vmul.f32 v6, v6;
	v7 =	vsub.f32 v7, v15  }
0x52: {  	v1 =	vand.u32 $0x7FFFFFFF, v5;
	vm14 =	vlt.f32 v3, $0.0e+00;
	v12 =	vmul.f32 v17, v12;
	v17 =	vld [tilespmem:s6+$0x20]  }
0x53: {  	v18 =	vld [tilespmem:s6+$0xFFFFFFF0];
	vm15 =	vlt.f32 v5, $0.0e+00;
	v2 =	vmul.f32 v6, v6;
	v7 =	vmax.f32 v7, $0.0e+00  }
0x54: {  	s1 =	simm.s32 $0x4EC0;
	v19 =	vld [tilespmem:s6+$0x10];
	v4 =	vmax.f32 v4, $0.0e+00;
	v6 =	vnsel vm0, $0x3F800000, v6;
	v7 =	vmul.f32 v7, v7  }
0x55: {  	v11 =	vld [tilespmem:s1+$0x0];
	v15 =	vand.u32 $0x7FFFFFFF, v3;
	vm0 =	vlt.f32 v10, $0.0e+00;
	v0 =	vmul.f32 v6, v2  }
0x56: {  	v10 =	vld [tilespmem:s6+$0xFFFFFFE0];
	v1 =	vsub.f32 v12, v1;
	v6 =	vmul.f32 v15, v14;
	v14 =	vmul.f32 v7, v7  }
0x57: {  	v4 =	vmul.f32 v4, v4;
	v12 =	vld [tilespmem:s1+$0x20];
	v7 =	vnsel vm3, $0x3F800000, v7;
	v2 =	vmul.f32 v0, v2  }
0x58: {  	v6 =	vsub.f32 v6, v9;
	v15 =	vmul.f32 v7, v14;
	v7 =	vmax.f32 v1, $0.0e+00;
	v1 =	vld.idx.msk [tilespmem:v16+s14+$0x0], $0xffff  }
0x59: {  	vm3 =	vlt.f32 v13, $0.0e+00;
	v13 =	vmul.f32 v4, v4;
	v2 =	vsel vm4, v2, v0;
	v0 =	vld.idx.msk [tilespmem:v16+s8+$0x0], $0xffff  }
0x5a: {  	v4 =	vnsel vm2, $0x3F800000, v4;
	v6 =	vmax.f32 v6, $0.0e+00;
	v16 =	vmul.f32 v7, v7;
	v3 =	vld.idx.msk [tilespmem:v17+s14+$0x0], $0xffff  }
0x5b: {  	v21 =	vmul.f32 v4, v13;
	v7 =	vld.idx.msk [tilespmem:v18+s8+$0x0], $0xffff;
	v9 =	vadd.f32 $1.000000000e+00, v2;
	v6 =	vmul.f32 v6, v6  }
0x5c: {  	v2 =	vld.idx.msk [tilespmem:v17+s8+$0x0], $0xffff;
	v14 =	vmul.f32 v15, v14;
	v17 =	vmul.f32 v16, v16;
	v16 =	vnsel vm3, $0x3F800000, v16  }
0x5d: {  	v4 =	vld.idx.msk [tilespmem:v19+s14+$0x0], $0xffff;
	vm3 =	vlt.f32 v8, $0.0e+00;
	(erf) = vrcp.f32 v9;
	v20 =	vmul.f32 v6, v6  }
0x5e: {  	v9 =	vnsel vm14, $0x3F800000, v6;
	v6 =	vld.idx.msk [tilespmem:v10+s14+$0x0], $0xffff;
	v14 =	vsel vm1, v14, v15;
	v22 =	vmul.f32 v16, v17  }
0x5f: {  	v16 =	vld [tilespmem:s1+$0xFFFFFFE0];
	v23 =	vand.u32 $0x7FFFFFFF, v1;
	v14 =	vadd.f32 $1.000000000e+00, v14;
	v24 =	vmul.f32 v9, v20  }
0x60: {  	v9 =	vld.idx.msk [tilespmem:v10+s8+$0x0], $0xffff;
	v10 =	vmul.f32 v21, v13;
	vm2 =	vlt.f32 v3, $0.0e+00;
	v8 =	vand.u32 $0x7FFFFFFF, v7  }
0x61: {  	v5 =	vld.idx.msk [tilespmem:v18+s14+$0x0], $0xffff;
	v62 =	vand.u32 $0x7FFFFFFF, v0;
	v13 =	vmul.f32 v22, v17;
	v17 =	vand.u32 $0x7FFFFFFF, v3  }
0x62: {  	v25 =	vand.u32 $0x7FFFFFFF, v2;
	v3 =	vmul.f32 v24, v20;
	v20 =	vld [tilespmem:s1+$0x10];
	v10 =	vsel vm3, v10, v21  }
0x63: {  	v12 =	vmul.f32 v17, v12;
	v18 =	vand.u32 $0x7FFFFFFF, v6;
	v26 =	vadd.f32 $1.000000000e+00, v10  }
0x64: {  	v10 =	vmul.f32 v23, v11;
	v11 =	vand.u32 $0x7FFFFFFF, v4;
	v15 =	vmul.f32 v18, v16  }
0x65: {  	v63 =	vsub.f32 v12, v25;
	v17 =	vsel vm0, v3, v24;
	v18 =	vsel vm15, v13, v22  }
0x66: {  	s5 =	simm.s32 $0x9C90;
	v3 =	vld.idx.msk [tilespmem:v19+s8+$0x0], $0xffff;
	v13 =	vand.u32 $0x7FFFFFFF, v5;
	v16 =	vand.u32 $0x7FFFFFFF, v9;
	v10 =	vsub.f32 v10, v62;
	v19 =	vpop (erf)  }
0x67: {  	s4 =	simm.s32 $0x50;
	s3 =	simm.s32 $0x9C90;
	s6 =	simm.s32 $0xF0;
	v12 =	vld [tilespmem:s1+$0xFFFFFFF0];
	v11 =	vmul.f32 v11, v20;
	(erf) = vrcp.f32 v26;
	[tilespmem:s5+$0x20] =	vst v19;
	v19 =	vmax.f32 v63, $0.0e+00  }
.LBB2_3:
0x68: {  	v20 =	vld [tilespmem:s6+$0x0];
	s4 =	sadd.s32 $0x50, s4;
	v15 =	vsub.f32 v15, v16;
	v16 =	vmul.f32 v19, v19;
	v17 =	vadd.f32 $1.000000000e+00, v17;
	s5 =	sadd.s32 $0x50, s5  }
0x69: {  	vm1 =	vlt.f32 v9, $0.0e+00;
	v9 =	vadd.f32 $1.000000000e+00, v18;
	v19 =	vld [tilespmem:s6+$0x20];
	p1 =	slt.u32 s4, $0x26C0;
	(erf) = vrcp.f32 v14  }
0x6a: {  	v14 =	vld [tilespmem:s6+$0xFFFFFFE0];
	v18 =	vmul.f32 v16, v16;
	v16 =	vnsel vm2, $0x3F800000, v16;
	(erf) = vrcp.f32 v17  }
0x6b: {  	vm0 =	vlt.f32 v7, $0.0e+00;
	s1 =	sadd.s32 $0x50, s1;
	v15 =	vmax.f32 v15, $0.0e+00;
	v17 =	vld [tilespmem:s6+$0xFFFFFFF0];
	(erf) = vrcp.f32 v9  }
0x6c: {  	vm2 =	vlt.f32 v1, $0.0e+00;
	v7 =	vmul.f32 v15, v15;
	v21 =	vld [tilespmem:s1+$0x0];
	v1 =	vmul.f32 v16, v18  }
0x6d: {  	vm3 =	vlt.f32 v6, $0.0e+00;
	v6 =	vmul.f32 v13, v12;
	vm4 =	vlt.f32 v2, $0.0e+00;
	v15 =	vld [tilespmem:s6+$0x10]  }
0x6e: {  	v2 =	vand.u32 $0x7FFFFFFF, v3;
	v12 =	vmul.f32 v7, v7;
	v13 =	vld [tilespmem:s1+$0x20];
	v9 =	vmul.f32 v1, v18  }
0x6f: {  	v2 =	vsub.f32 v11, v2;
	v6 =	vsub.f32 v6, v8;
	v7 =	vnsel vm3, $0x3F800000, v7;
	v16 =	vld [tilespmem:s1+$0xFFFFFFE0]  }
0x70: {  	v11 =	vmul.f32 v7, v12;
	v7 =	vmax.f32 v10, $0.0e+00;
	v8 =	vld.idx.msk [tilespmem:v20+s8+$0x0], $0xffff;
	v9 =	vsel vm4, v9, v1;
	v10 =	vpop (erf)  }
0x71: {  	v6 =	vmax.f32 v6, $0.0e+00;
	v18 =	vmax.f32 v2, $0.0e+00;
	v1 =	vld.idx.msk [tilespmem:v20+s14+$0x0], $0xffff;
	v9 =	vadd.f32 $1.000000000e+00, v9;
	[tilespmem:s3+$0x0] =	vst v10  }
0x72: {  	vm3 =	vlt.f32 v4, $0.0e+00;
	v18 =	vmul.f32 v18, v18;
	v10 =	vmul.f32 v7, v7;
	v2 =	vld.idx.msk [tilespmem:v19+s8+$0x0], $0xffff;
	v4 =	vpop (erf)  }
0x73: {  	vm4 =	vlt.f32 v5, $0.0e+00;
	v20 =	vmul.f32 v6, v6;
	v19 =	vld.idx.msk [tilespmem:v19+s14+$0x0], $0xffff;
	(erf) = vrcp.f32 v9;
	[tilespmem:s3+$0xFFFFFFE0] =	vst v4;
	v4 =	vpop (erf)  }
0x74: {  	v22 =	vmul.f32 v18, v18;
	v5 =	vmul.f32 v10, v10;
	v10 =	vnsel vm2, $0x3F800000, v10;
	v7 =	vld.idx.msk [tilespmem:v17+s8+$0x0], $0xffff;
	[tilespmem:s3+$0xFFFFFFF0] =	vst v4;
	v4 =	vpop (erf)  }
0x75: {  	v18 =	vnsel vm3, $0x3F800000, v18;
	v23 =	vmul.f32 v20, v20;
	v20 =	vnsel vm4, $0x3F800000, v20;
	v6 =	vld.idx.msk [tilespmem:v14+s14+$0x0], $0xffff;
	[tilespmem:s3+$0x10] =	vst v4;
	s3 =	smov.u32 s5  }
0x76: {  	vm4 =	vlt.f32 v0, $0.0e+00;
	v18 =	vmul.f32 v18, v22;
	v10 =	vmul.f32 v10, v5;
	v0 =	vmovc v8;
	v9 =	vld.idx.msk [tilespmem:v14+s8+$0x0], $0xffff  }
0x77: {  	v25 =	vmul.f32 v11, v12;
	v20 =	vmul.f32 v20, v23;
	v14 =	vand.u32 $0x7FFFFFFF, v1;
	v24 =	vld.idx.msk [tilespmem:v15+s8+$0x0], $0xffff  }
0x78: {  	vm3 =	vlt.f32 v3, $0.0e+00;
	v22 =	vmul.f32 v18, v22;
	v12 =	vmul.f32 v10, v5;
	v4 =	vld.idx.msk [tilespmem:v15+s14+$0x0], $0xffff  }
0x79: {  	v3 =	vand.u32 $0x7FFFFFFF, v19;
	vm2 =	vlt.f32 v19, $0.0e+00;
	v19 =	vmul.f32 v20, v23;
	v26 =	vld [tilespmem:s1+$0x10]  }
0x7a: {  	v8 =	vand.u32 $0x7FFFFFFF, v7;
	v10 =	vsel vm4, v12, v10;
	v5 =	vld.idx.msk [tilespmem:v17+s14+$0x0], $0xffff;
	v17 =	vand.u32 $0x7FFFFFFF, v2  }
0x7b: {  	v11 =	vsel vm1, v25, v11;
	v23 =	vand.u32 $0x7FFFFFFF, v0;
	v15 =	vand.u32 $0x7FFFFFFF, v6;
	v12 =	vld [tilespmem:s1+$0xFFFFFFF0]  }
.Ltmp0:
0x7c: {  	v13 =	vmul.f32 v3, v13;
	v25 =	vadd.f32 $1.000000000e+00, v10;
	v15 =	vmul.f32 v15, v16;
	v3 =	vpop (erf);
	(pc) =	sbr.rel @p1 .LBB2_3-.Ltmp0, $4  }
0x7d: {  	v10 =	vmul.f32 v14, v21;
	v14 =	vadd.f32 $1.000000000e+00, v11;
	v16 =	vand.u32 $0x7FFFFFFF, v9;
	[tilespmem:s5+$0x20] =	vst v3;
	v3 =	vmovc v24  }
0x7e: {  	v21 =	vsub.f32 v13, v17;
	v17 =	vsel vm0, v19, v20;
	v11 =	vand.u32 $0x7FFFFFFF, v4  }
0x7f: {  	v18 =	vsel vm3, v22, v18;
	v10 =	vsub.f32 v10, v23;
	v11 =	vmul.f32 v11, v26  }
0x80: {  	s6 =	sadd.s32 $0x50, s6;
	v19 =	vmax.f32 v21, $0.0e+00;
	v13 =	vand.u32 $0x7FFFFFFF, v5;
	(erf) = vrcp.f32 v25  }
0x81: {  	v15 =	vsub.f32 v15, v16  }
0x82: {  	v16 =	vmul.f32 v19, v19;
	v17 =	vadd.f32 $1.000000000e+00, v17;
	vm0 =	vlt.f32 v9, $0.0e+00  }
0x83: {  	v9 =	vadd.f32 $1.000000000e+00, v18;
	(erf) = vrcp.f32 v14;
	vm1 =	vlt.f32 v7, $0.0e+00  }
0x84: {  	vm3 =	vlt.f32 v6, $0.0e+00;
	v6 =	vmul.f32 v13, v12;
	vm4 =	vlt.f32 v2, $0.0e+00  }
0x85: {  	v14 =	vmul.f32 v16, v16;
	v16 =	vnsel vm2, $0x3F800000, v16;
	(erf) = vrcp.f32 v17  }
0x86: {  	v15 =	vmax.f32 v15, $0.0e+00;
	vm2 =	vlt.f32 v1, $0.0e+00;
	v6 =	vsub.f32 v6, v8  }
0x87: {  	v8 =	vmax.f32 v10, $0.0e+00;
	(erf) = vrcp.f32 v9;
	v7 =	vmul.f32 v15, v15  }
0x88: {  	v9 =	vand.u32 $0x7FFFFFFF, v3;
	v8 =	vmul.f32 v8, v8;
	v1 =	vmul.f32 v16, v14  }
0x89: {  	v9 =	vsub.f32 v11, v9;
	v6 =	vmax.f32 v6, $0.0e+00;
	v2 =	vmul.f32 v7, v7  }
0x8a: {  	v7 =	vnsel vm3, $0x3F800000, v7;
	v6 =	vmul.f32 v6, v6;
	v10 =	vmul.f32 v8, v8  }
0x8b: {  	v8 =	vnsel vm2, $0x3F800000, v8;
	v12 =	vmul.f32 v1, v14;
	v9 =	vmax.f32 v9, $0.0e+00  }
0x8c: {  	vm2 =	vlt.f32 v5, $0.0e+00;
	v7 =	vmul.f32 v7, v2;
	v9 =	vmul.f32 v9, v9  }
0x8d: {  	vm3 =	vlt.f32 v4, $0.0e+00;
	v5 =	vmul.f32 v6, v6;
	v8 =	vmul.f32 v8, v10  }
0x8e: {  	v6 =	vnsel vm2, $0x3F800000, v6;
	v1 =	vsel vm4, v12, v1;
	v4 =	vmul.f32 v9, v9  }
0x8f: {  	v1 =	vadd.f32 $1.000000000e+00, v1;
	v9 =	vnsel vm3, $0x3F800000, v9;
	v6 =	vmul.f32 v6, v5  }
0x90: {  	vm2 =	vlt.f32 v0, $0.0e+00;
	v10 =	vmul.f32 v8, v10;
	v0 =	vmul.f32 v9, v4  }
0x91: {  	v2 =	vmul.f32 v7, v2;
	(erf) = vrcp.f32 v1  }
0x92: {  	v1 =	vmul.f32 v6, v5;
	v5 =	vsel vm2, v10, v8;
	v4 =	vmul.f32 v0, v4  }
0x93: {  	v2 =	vsel vm0, v2, v7;
	vm0 =	vlt.f32 v3, $0.0e+00;
	v5 =	vadd.f32 $1.000000000e+00, v5  }
0x94: {  	v2 =	vadd.f32 $1.000000000e+00, v2;
	v1 =	vsel vm1, v1, v6;
	v0 =	vsel vm0, v4, v0  }
0x95: {  	(erf) = vrcp.f32 v5;
	v1 =	vadd.f32 $1.000000000e+00, v1;
	v0 =	vadd.f32 $1.000000000e+00, v0  }
0x96: {  	(erf) = vrcp.f32 v2  }
0x97: {  	(erf) = vrcp.f32 v1  }
0x98: {  	(erf) = vrcp.f32 v0  }
0x99: {  	v0 =	vpop (erf)  }
0x9a: {  	v1 =	vpop (erf);
	[tilespmem:s3+$0x0] =	vst v0  }
0x9b: {  	v0 =	vpop (erf);
	[tilespmem:s3+$0xFFFFFFE0] =	vst v1  }
0x9c: {  	v1 =	vpop (erf);
	[tilespmem:s3+$0xFFFFFFF0] =	vst v0  }
0x9d: {  	s1 =	sadd.s32 $0x50, s5;
	v0 =	vpop (erf);
	[tilespmem:s3+$0x10] =	vst v1  }
0x9e: {  	[tilespmem:s1+$0x20] =	vst v0;
	v0 =	vpop (erf)  }
0x9f: {  	[tilespmem:s1+$0x0] =	vst v0;
	v0 =	vpop (erf)  }
0xa0: {  	[tilespmem:s1+$0xFFFFFFE0] =	vst v0;
	v0 =	vpop (erf)  }
0xa1: {  	p1 =	seq.s32 s28, $0x9;
	[tilespmem:s1+$0xFFFFFFF0] =	vst v0;
	v0 =	vpop (erf)  }
0xa2: {  	s5 =	sadd.s32 s7, s31;
	[tilespmem:s1+$0x10] =	vst v0;
	s1 =	sshrl.u32 @!p1 s30, $0x3  }
0xa3: {  	[hbm4b:s5+s8] =	stream.linear.scatter [tilespmem:s21], [sflag:$0x3], $0x2710, $0x38;
	[tilespmem:$0xEA90] =	vst v63  }
0xa4: {  	s1 =	sadd.s32 @!p1 $0x9C4, s1  }
0xa5: {  	s4 =	simm.s32 @!p1 $0x0;
	s5 =	simm.s32 @!p1 $0x30;
	s3 =	sadd.s32 @!p1 s0, s1  }
0xa6: {  	[tilespmem:s5], [sflag:$0x1] =	stream.linear.gather @!p1 [hbm4b:s3+s4], $0x2710, $0x38;
	[tilespmem:$0xEA90] =	vst v63  }
0xa7: {  	s1 =	sadd.s32 @!p1 s2, s1;
	s3 =	simm.s32 @!p1 $0x4E50  }
0xa8: {  	[tilespmem:s3], [sflag:$0x1] =	stream.linear.gather @!p1 [hbm4b:s1+s4], $0x2710, $0x38;
	[tilespmem:$0xEA90] =	vst v63  }
0xa9: {  	_ =	swait.ge [sflag:s22], $0x2710  }
0xaa: {  	[sflag:s22] =	ssyncset.done $0x0  }
0xab: {  	[sflag:s22] =	ssyncadd.s32 $0xFFFFD8F0  }
0xac: {  	_ =	swait.ge [sflag:s22], $0x2710  }
0xad: {  	[sflag:s22] =	ssyncset.done $0x0  }
0xae: {  	s1 =	simm.s32 @!p0 $0x4;
	[sflag:s22] =	ssyncadd.s32 $0xFFFFD8F0  }
0xaf: {  	_ =	swait.ge @!p0 [sflag:s1], $0x2710  }
0xb0: {  	[sflag:s1] =	ssyncset.done @!p0 $0x0  }
0xb1: {  	s6 =	simm.s32 $0x2780;
	[sflag:s1] =	ssyncadd.s32 @!p0 $0xFFFFD8F0  }
0xb2: {  	v0 =	vld [tilespmem:s6+$0xFFFFFFE0]  }
0xb3: {  	v1 =	vld [tilespmem:s6+$0x0];
	_ =	sdelay $0x2  }
0xb4: {  	v3 =	vld [tilespmem:s6+$0xFFFFFFD0]  }
0xb5: {  	v2 =	vld [tilespmem:s6+$0xFFFFFFC0]  }
0xb6: {  	s30 =	simm.s32 $0x75A0;
	v5 =	vld [tilespmem:s6+$0xFFFFFFF0]  }
0xb7: {  	v6 =	vld [tilespmem:s30+$0x0]  }
0xb8: {  	v8 =	vld.idx.msk [tilespmem:v0+s8+$0x0], $0xffff  }
0xb9: {  	v9 =	vld.idx.msk [tilespmem:v1+s14+$0x0], $0xffff  }
0xba: {  	v0 =	vld.idx.msk [tilespmem:v0+s14+$0x0], $0xffff  }
0xbb: {  	v1 =	vld.idx.msk [tilespmem:v1+s8+$0x0], $0xffff  }
0xbc: {  	v10 =	vld.idx.msk [tilespmem:v3+s8+$0x0], $0xffff  }
0xbd: {  	v11 =	vld.idx.msk [tilespmem:v2+s14+$0x0], $0xffff  }
0xbe: {  	v2 =	vld.idx.msk [tilespmem:v2+s8+$0x0], $0xffff  }
0xbf: {  	v13 =	vld.idx.msk [tilespmem:v5+s14+$0x0], $0xffff  }
0xc0: {  	v4 =	vld [tilespmem:s30+$0xFFFFFFE0]  }
0xc1: {  	v7 =	vld [tilespmem:s30+$0xFFFFFFC0]  }
0xc2: {  	v3 =	vld.idx.msk [tilespmem:v3+s14+$0x0], $0xffff;
	v12 =	vand.u32 $0x7FFFFFFF, v9;
	v14 =	vand.u32 $0x7FFFFFFF, v1;
	v15 =	vand.u32 $0x7FFFFFFF, v0  }
0xc3: {  	v5 =	vld.idx.msk [tilespmem:v5+s8+$0x0], $0xffff;
	vm0 =	vlt.f32 v9, $0.0e+00;
	v9 =	vand.u32 $0x7FFFFFFF, v10;
	v6 =	vmul.f32 v12, v6  }
0xc4: {  	v16 =	vand.u32 $0x7FFFFFFF, v8;
	v17 =	vand.u32 $0x7FFFFFFF, v13;
	vm1 =	vlt.f32 v2, $0.0e+00;
	v12 =	vld [tilespmem:s30+$0xFFFFFFF0]  }
0xc5: {  	v4 =	vmul.f32 v15, v4;
	v6 =	vsub.f32 v6, v14;
	v14 =	vand.u32 $0x7FFFFFFF, v11  }
0xc6: {  	s31 =	simm.s32 $0x27D0;
	vm2 =	vlt.f32 v0, $0.0e+00;
	vm3 =	vlt.f32 v11, $0.0e+00;
	v7 =	vmul.f32 v14, v7  }
0xc7: {  	v15 =	vand.u32 $0x7FFFFFFF, v2;
	v4 =	vsub.f32 v4, v16;
	v16 =	vld [tilespmem:s31+$0xFFFFFFE0];
	v6 =	vmax.f32 v6, $0.0e+00  }
0xc8: {  	vm13 =	vlt.f32 v1, $0.0e+00;
	v14 =	vld [tilespmem:s30+$0xFFFFFFD0];
	v6 =	vmul.f32 v6, v6;
	v7 =	vsub.f32 v7, v15  }
0xc9: {  	v1 =	vand.u32 $0x7FFFFFFF, v5;
	vm14 =	vlt.f32 v3, $0.0e+00;
	v12 =	vmul.f32 v17, v12;
	v17 =	vld [tilespmem:s31+$0x0]  }
0xca: {  	v18 =	vld [tilespmem:s31+$0xFFFFFFD0];
	vm15 =	vlt.f32 v5, $0.0e+00;
	v2 =	vmul.f32 v6, v6;
	v7 =	vmax.f32 v7, $0.0e+00  }
0xcb: {  	s1 =	simm.s32 $0x75F0;
	v19 =	vld [tilespmem:s31+$0xFFFFFFF0];
	v4 =	vmax.f32 v4, $0.0e+00;
	v6 =	vnsel vm0, $0x3F800000, v6;
	v7 =	vmul.f32 v7, v7  }
0xcc: {  	v11 =	vld [tilespmem:s1+$0xFFFFFFE0];
	v15 =	vand.u32 $0x7FFFFFFF, v3;
	vm0 =	vlt.f32 v10, $0.0e+00;
	v0 =	vmul.f32 v6, v2  }
0xcd: {  	v10 =	vld [tilespmem:s31+$0xFFFFFFC0];
	v1 =	vsub.f32 v12, v1;
	v6 =	vmul.f32 v15, v14;
	v14 =	vmul.f32 v7, v7  }
0xce: {  	v4 =	vmul.f32 v4, v4;
	v12 =	vld [tilespmem:s1+$0x0];
	v7 =	vnsel vm3, $0x3F800000, v7;
	v2 =	vmul.f32 v0, v2  }
0xcf: {  	v6 =	vsub.f32 v6, v9;
	v15 =	vmul.f32 v7, v14;
	v7 =	vmax.f32 v1, $0.0e+00;
	v1 =	vld.idx.msk [tilespmem:v16+s14+$0x0], $0xffff  }
0xd0: {  	vm3 =	vlt.f32 v13, $0.0e+00;
	v13 =	vmul.f32 v4, v4;
	v2 =	vsel vm13, v2, v0;
	v0 =	vld.idx.msk [tilespmem:v16+s8+$0x0], $0xffff  }
0xd1: {  	v4 =	vnsel vm2, $0x3F800000, v4;
	v6 =	vmax.f32 v6, $0.0e+00;
	v16 =	vmul.f32 v7, v7;
	v3 =	vld.idx.msk [tilespmem:v17+s14+$0x0], $0xffff  }
0xd2: {  	v21 =	vmul.f32 v4, v13;
	v7 =	vld.idx.msk [tilespmem:v18+s8+$0x0], $0xffff;
	v9 =	vadd.f32 $1.000000000e+00, v2;
	v6 =	vmul.f32 v6, v6  }
0xd3: {  	v2 =	vld.idx.msk [tilespmem:v17+s8+$0x0], $0xffff;
	v14 =	vmul.f32 v15, v14;
	v17 =	vmul.f32 v16, v16;
	v16 =	vnsel vm3, $0x3F800000, v16  }
0xd4: {  	v4 =	vld.idx.msk [tilespmem:v19+s14+$0x0], $0xffff;
	vm3 =	vlt.f32 v8, $0.0e+00;
	(erf) = vrcp.f32 v9;
	v20 =	vmul.f32 v6, v6  }
0xd5: {  	v9 =	vnsel vm14, $0x3F800000, v6;
	v6 =	vld.idx.msk [tilespmem:v10+s14+$0x0], $0xffff;
	v14 =	vsel vm1, v14, v15;
	v22 =	vmul.f32 v16, v17  }
0xd6: {  	v16 =	vld [tilespmem:s1+$0xFFFFFFC0];
	v23 =	vand.u32 $0x7FFFFFFF, v1;
	v14 =	vadd.f32 $1.000000000e+00, v14;
	v24 =	vmul.f32 v9, v20  }
0xd7: {  	v9 =	vld.idx.msk [tilespmem:v10+s8+$0x0], $0xffff;
	v10 =	vmul.f32 v21, v13;
	vm2 =	vlt.f32 v3, $0.0e+00;
	v8 =	vand.u32 $0x7FFFFFFF, v7  }
0xd8: {  	v5 =	vld.idx.msk [tilespmem:v18+s14+$0x0], $0xffff;
	v62 =	vand.u32 $0x7FFFFFFF, v0;
	v13 =	vmul.f32 v22, v17;
	v17 =	vand.u32 $0x7FFFFFFF, v3  }
0xd9: {  	v25 =	vand.u32 $0x7FFFFFFF, v2;
	v3 =	vmul.f32 v24, v20;
	v20 =	vld [tilespmem:s1+$0xFFFFFFF0];
	v10 =	vsel vm3, v10, v21  }
0xda: {  	v12 =	vmul.f32 v17, v12;
	v18 =	vand.u32 $0x7FFFFFFF, v6;
	v26 =	vadd.f32 $1.000000000e+00, v10  }
0xdb: {  	v10 =	vmul.f32 v23, v11;
	v11 =	vand.u32 $0x7FFFFFFF, v4;
	v15 =	vmul.f32 v18, v16  }
0xdc: {  	v63 =	vsub.f32 v12, v25;
	v17 =	vsel vm0, v3, v24;
	v18 =	vsel vm15, v13, v22  }
0xdd: {  	s5 =	simm.s32 $0xC3C0;
	v3 =	vld.idx.msk [tilespmem:v19+s8+$0x0], $0xffff;
	v13 =	vand.u32 $0x7FFFFFFF, v5;
	v16 =	vand.u32 $0x7FFFFFFF, v9;
	v10 =	vsub.f32 v10, v62;
	v19 =	vpop (erf)  }
0xde: {  	s4 =	simm.s32 $0x50;
	s3 =	simm.s32 $0xC3C0;
	s6 =	simm.s32 $0x2820;
	v12 =	vld [tilespmem:s1+$0xFFFFFFD0];
	v11 =	vmul.f32 v11, v20;
	(erf) = vrcp.f32 v26;
	[tilespmem:s5+$0x0] =	vst v19;
	v19 =	vmax.f32 v63, $0.0e+00  }
.LBB2_5:
0xdf: {  	v20 =	vld [tilespmem:s6+$0xFFFFFFE0];
	s4 =	sadd.s32 $0x50, s4;
	v15 =	vsub.f32 v15, v16;
	v16 =	vmul.f32 v19, v19;
	v17 =	vadd.f32 $1.000000000e+00, v17;
	s5 =	sadd.s32 $0x50, s5  }
0xe0: {  	vm1 =	vlt.f32 v9, $0.0e+00;
	v9 =	vadd.f32 $1.000000000e+00, v18;
	v19 =	vld [tilespmem:s6+$0x0];
	p0 =	slt.u32 s4, $0x26C0;
	(erf) = vrcp.f32 v14  }
0xe1: {  	v14 =	vld [tilespmem:s6+$0xFFFFFFC0];
	v18 =	vmul.f32 v16, v16;
	v16 =	vnsel vm2, $0x3F800000, v16;
	(erf) = vrcp.f32 v17  }
0xe2: {  	vm0 =	vlt.f32 v7, $0.0e+00;
	s1 =	sadd.s32 $0x50, s1;
	v15 =	vmax.f32 v15, $0.0e+00;
	v17 =	vld [tilespmem:s6+$0xFFFFFFD0];
	(erf) = vrcp.f32 v9  }
0xe3: {  	vm2 =	vlt.f32 v1, $0.0e+00;
	v7 =	vmul.f32 v15, v15;
	v21 =	vld [tilespmem:s1+$0xFFFFFFE0];
	v1 =	vmul.f32 v16, v18  }
0xe4: {  	vm3 =	vlt.f32 v6, $0.0e+00;
	v6 =	vmul.f32 v13, v12;
	vm4 =	vlt.f32 v2, $0.0e+00;
	v15 =	vld [tilespmem:s6+$0xFFFFFFF0]  }
0xe5: {  	v2 =	vand.u32 $0x7FFFFFFF, v3;
	v12 =	vmul.f32 v7, v7;
	v13 =	vld [tilespmem:s1+$0x0];
	v9 =	vmul.f32 v1, v18  }
0xe6: {  	v2 =	vsub.f32 v11, v2;
	v6 =	vsub.f32 v6, v8;
	v7 =	vnsel vm3, $0x3F800000, v7;
	v16 =	vld [tilespmem:s1+$0xFFFFFFC0]  }
0xe7: {  	v11 =	vmul.f32 v7, v12;
	v7 =	vmax.f32 v10, $0.0e+00;
	v8 =	vld.idx.msk [tilespmem:v20+s8+$0x0], $0xffff;
	v9 =	vsel vm4, v9, v1;
	v10 =	vpop (erf)  }
0xe8: {  	v6 =	vmax.f32 v6, $0.0e+00;
	v18 =	vmax.f32 v2, $0.0e+00;
	v1 =	vld.idx.msk [tilespmem:v20+s14+$0x0], $0xffff;
	v9 =	vadd.f32 $1.000000000e+00, v9;
	[tilespmem:s3+$0xFFFFFFE0] =	vst v10  }
0xe9: {  	vm3 =	vlt.f32 v4, $0.0e+00;
	v18 =	vmul.f32 v18, v18;
	v10 =	vmul.f32 v7, v7;
	v2 =	vld.idx.msk [tilespmem:v19+s8+$0x0], $0xffff;
	v4 =	vpop (erf)  }
0xea: {  	vm4 =	vlt.f32 v5, $0.0e+00;
	v20 =	vmul.f32 v6, v6;
	v19 =	vld.idx.msk [tilespmem:v19+s14+$0x0], $0xffff;
	(erf) = vrcp.f32 v9;
	[tilespmem:s3+$0xFFFFFFC0] =	vst v4;
	v4 =	vpop (erf)  }
0xeb: {  	v22 =	vmul.f32 v18, v18;
	v5 =	vmul.f32 v10, v10;
	v10 =	vnsel vm2, $0x3F800000, v10;
	v7 =	vld.idx.msk [tilespmem:v17+s8+$0x0], $0xffff;
	[tilespmem:s3+$0xFFFFFFD0] =	vst v4;
	v4 =	vpop (erf)  }
0xec: {  	v18 =	vnsel vm3, $0x3F800000, v18;
	v23 =	vmul.f32 v20, v20;
	v20 =	vnsel vm4, $0x3F800000, v20;
	v6 =	vld.idx.msk [tilespmem:v14+s14+$0x0], $0xffff;
	[tilespmem:s3+$0xFFFFFFF0] =	vst v4;
	s3 =	smov.u32 s5  }
0xed: {  	vm4 =	vlt.f32 v0, $0.0e+00;
	v18 =	vmul.f32 v18, v22;
	v10 =	vmul.f32 v10, v5;
	v0 =	vmovc v8;
	v9 =	vld.idx.msk [tilespmem:v14+s8+$0x0], $0xffff  }
0xee: {  	v25 =	vmul.f32 v11, v12;
	v20 =	vmul.f32 v20, v23;
	v14 =	vand.u32 $0x7FFFFFFF, v1;
	v24 =	vld.idx.msk [tilespmem:v15+s8+$0x0], $0xffff  }
0xef: {  	vm3 =	vlt.f32 v3, $0.0e+00;
	v22 =	vmul.f32 v18, v22;
	v12 =	vmul.f32 v10, v5;
	v4 =	vld.idx.msk [tilespmem:v15+s14+$0x0], $0xffff  }
0xf0: {  	v3 =	vand.u32 $0x7FFFFFFF, v19;
	vm2 =	vlt.f32 v19, $0.0e+00;
	v19 =	vmul.f32 v20, v23;
	v26 =	vld [tilespmem:s1+$0xFFFFFFF0]  }
0xf1: {  	v8 =	vand.u32 $0x7FFFFFFF, v7;
	v10 =	vsel vm4, v12, v10;
	v5 =	vld.idx.msk [tilespmem:v17+s14+$0x0], $0xffff;
	v17 =	vand.u32 $0x7FFFFFFF, v2  }
0xf2: {  	v11 =	vsel vm1, v25, v11;
	v23 =	vand.u32 $0x7FFFFFFF, v0;
	v15 =	vand.u32 $0x7FFFFFFF, v6;
	v12 =	vld [tilespmem:s1+$0xFFFFFFD0]  }
.Ltmp1:
0xf3: {  	v13 =	vmul.f32 v3, v13;
	v25 =	vadd.f32 $1.000000000e+00, v10;
	v15 =	vmul.f32 v15, v16;
	v3 =	vpop (erf);
	(pc) =	sbr.rel @p0 .LBB2_5-.Ltmp1, $4  }
0xf4: {  	v10 =	vmul.f32 v14, v21;
	v14 =	vadd.f32 $1.000000000e+00, v11;
	v16 =	vand.u32 $0x7FFFFFFF, v9;
	[tilespmem:s5+$0x0] =	vst v3;
	v3 =	vmovc v24  }
0xf5: {  	v21 =	vsub.f32 v13, v17;
	v17 =	vsel vm0, v19, v20;
	v11 =	vand.u32 $0x7FFFFFFF, v4  }
0xf6: {  	v18 =	vsel vm3, v22, v18;
	v10 =	vsub.f32 v10, v23;
	v11 =	vmul.f32 v11, v26  }
0xf7: {  	s6 =	sadd.s32 $0x50, s6;
	v19 =	vmax.f32 v21, $0.0e+00;
	v13 =	vand.u32 $0x7FFFFFFF, v5;
	(erf) = vrcp.f32 v25  }
0xf8: {  	v15 =	vsub.f32 v15, v16;
	v39 =	vmul.f32 v19, v19  }
0xf9: {  	v17 =	vadd.f32 $1.000000000e+00, v17;
	vm0 =	vlt.f32 v9, $0.0e+00;
	v40 =	vadd.f32 $1.000000000e+00, v18  }
0xfa: {  	(erf) = vrcp.f32 v14;
	vm1 =	vlt.f32 v7, $0.0e+00;
	vm11 =	vlt.f32 v1, $0.0e+00  }
0xfb: {  	vm3 =	vlt.f32 v6, $0.0e+00;
	v44 =	vmul.f32 v13, v12;
	vm4 =	vlt.f32 v2, $0.0e+00  }
0xfc: {  	v46 =	vand.u32 $0x7FFFFFFF, v3;
	v48 =	vmax.f32 v10, $0.0e+00;
	vm12 =	vlt.f32 v5, $0.0e+00  }
0xfd: {  	vm13 =	vlt.f32 v4, $0.0e+00;
	vm14 =	vlt.f32 v0, $0.0e+00;
	v9 =	vsub.f32 v11, v46  }
0xfe: {  	v41 =	vmul.f32 v39, v39;
	v16 =	vnsel vm2, $0x3F800000, v39;
	(erf) = vrcp.f32 v17  }
0xff: {  	v15 =	vmax.f32 v15, $0.0e+00;
	v6 =	vsub.f32 v44, v8;
	v8 =	vmul.f32 v48, v48  }
0x100: {  	(erf) = vrcp.f32 v40;
	v42 =	vmul.f32 v15, v15;
	v9 =	vmax.f32 v9, $0.0e+00  }
0x101: {  	v43 =	vmul.f32 v16, v41;
	v6 =	vmax.f32 v6, $0.0e+00;
	v49 =	vmul.f32 v8, v8  }
0x102: {  	vm15 =	vlt.f32 v3, $0.0e+00;
	v9 =	vmul.f32 v9, v9;
	v6 =	vmul.f32 v6, v6  }
0x103: {  	v8 =	vnsel vm11, $0x3F800000, v8;
	v45 =	vmul.f32 v42, v42;
	v47 =	vmul.f32 v43, v41  }
0x104: {  	v7 =	vnsel vm3, $0x3F800000, v42;
	v8 =	vmul.f32 v8, v49;
	v50 =	vmul.f32 v6, v6  }
0x105: {  	v51 =	vmul.f32 v9, v9;
	v7 =	vmul.f32 v7, v45;
	v6 =	vnsel vm12, $0x3F800000, v6  }
0x106: {  	v9 =	vnsel vm13, $0x3F800000, v9;
	v10 =	vmul.f32 v8, v49;
	v6 =	vmul.f32 v6, v50  }
0x107: {  	v1 =	vsel vm4, v47, v43;
	v52 =	vmul.f32 v9, v51;
	v2 =	vmul.f32 v7, v45  }
0x108: {  	v1 =	vadd.f32 $1.000000000e+00, v1;
	v54 =	vsel vm14, v10, v8;
	v53 =	vmul.f32 v6, v50  }
0x109: {  	v4 =	vmul.f32 v52, v51;
	v2 =	vsel vm0, v2, v7;
	v5 =	vadd.f32 $1.000000000e+00, v54  }
0x10a: {  	(erf) = vrcp.f32 v1;
	v2 =	vadd.f32 $1.000000000e+00, v2;
	v1 =	vsel vm1, v53, v6  }
0x10b: {  	v0 =	vsel vm15, v4, v52;
	(erf) = vrcp.f32 v5;
	v1 =	vadd.f32 $1.000000000e+00, v1  }
0x10c: {  	v0 =	vadd.f32 $1.000000000e+00, v0;
	(erf) = vrcp.f32 v2  }
0x10d: {  	(erf) = vrcp.f32 v1  }
0x10e: {  	(erf) = vrcp.f32 v0  }
0x10f: {  	v55 =	vpop (erf)  }
0x110: {  	v56 =	vpop (erf);
	[tilespmem:s3+$0xFFFFFFE0] =	vst v55  }
0x111: {  	[tilespmem:s3+$0xFFFFFFC0] =	vst v56;
	v57 =	vpop (erf)  }
0x112: {  	v58 =	vpop (erf);
	[tilespmem:s3+$0xFFFFFFD0] =	vst v57  }
0x113: {  	s1 =	sadd.s32 $0x50, s5;
	s28 =	sadd.s32 $0x1, s28;
	[tilespmem:s3+$0xFFFFFFF0] =	vst v58;
	v59 =	vpop (erf)  }
0x114: {  	p0 =	sne.s32 s28, $0xA;
	[tilespmem:s1+$0x0] =	vst v59;
	v60 =	vpop (erf)  }
.Ltmp2:
0x115: {  	[tilespmem:s1+$0xFFFFFFE0] =	vst v60;
	v61 =	vpop (erf);
	(pc) =	sbr.rel @p0 .LBB2_2-.Ltmp2, $4  }
0x116: {  	[tilespmem:s1+$0xFFFFFFC0] =	vst v61;
	v62 =	vpop (erf)  }
0x117: {  	[tilespmem:s1+$0xFFFFFFD0] =	vst v62;
	v63 =	vpop (erf)  }
0x118: {  	s31 =	sadd.s32 s7, s29;
	[tilespmem:s1+$0xFFFFFFF0] =	vst v63  }
0x119: {  	[hbm4b:s31+s8] =	stream.linear.scatter [tilespmem:s23], [sflag:$0x4], $0x2710, $0x38;
	[tilespmem:$0xEA90] =	vst v63  }
0x11a: {  	s26 =	sadd.s32 $0x1, s26  }
0x11b: {  	_ =	swait.ge [sflag:s24], $0x2710;
	p0 =	sne.s32 s26, s12  }
.Ltmp3:
0x11c: {  	[sflag:s24] =	ssyncset.done $0x0;
	(pc) =	sbr.rel @p0 .LBB2_1-.Ltmp3, $4  }
0x11d: {  	[sflag:s24] =	ssyncadd.s32 $0xFFFFD8F0  }
0x11e: {  	_ =	swait.ge [sflag:s25], $0x2710  }
0x11f: {  	[sflag:s25] =	ssyncset.done $0x0  }
0x120: {  	[sflag:s25] =	ssyncadd.s32 $0xFFFFD8F0  }
0x121: {  	_ =	sfence.sel $0x180000  }
0x122: {  	[bflag:$0x0] =	sbarrier.arrive $0xFFFF  }
0x123: {  	_ =	strace $0x90000047  }
0x124: {  	s0 =	stileid.u32;
	[bflag:$0x2] =	sbarrier.arrive $0xFFFF  }
0x125: {  	p0 =	sne.s32 s0, $0x0;
	s0 =	rddreg [dreg:$0x6]  }
0x126: {  	s0 =	sadd.s32 @!p0 $0x100000, s0  }
0x127: {  	[sflag:s0] =	ssyncadd.tile.s32 @!p0 $0x1;
	_ =	shalt  }
.Lfunc_end2:
_tile_overlayer_lowered:
.L_overlay_start_2:
0x128: {  	(tag) =	ssettag $0x2  }
0x129: {  	s0 =	rddreg [dreg:$0x0];
	s2 =	stileid.u32  }
0x12a: {  	s1 =	rddreg [dreg:$0x1];
	p0 =	sne.s32 s2, $0x0  }
0x12b: {  	s3 =	rddreg [dreg:$0x2];
	[bflag:$0x3] =	sbarrier.arrive $0xFFFF;
	s2 =	simm.s32 @!p0 $0x1C05  }
0x12c: {  	[timem:s3], [sflag:s2] =	dma.local @!p0 [hbm:s0], s1  }
0x12d: {  	s0 =	simm.s32 @!p0 $0x5  }
0x12e: {  	_ =	swait.ge @!p0 [sflag:s0], s1  }
0x12f: {  	s1 =	ssub.s32 @!p0 $0x0, s1;
	[sflag:s0] =	ssyncset.done @!p0 $0x0  }
0x130: {  	[sflag:s0] =	ssyncadd.s32 @!p0 s1  }
0x131: {  	[bflag:$0x3] =	sbarrier.arrive $0xFFFF  }
0x132: {  	_ =	shalt  }

</sc_bundles>
